<compile_context>
chip_gen: v7x
topology: tpu7x:2x2x1
jax: 0.10.2.dev20260603
libtpu: 0.0.44.dev20260713+nightly
codegen_flags: <defaults>
</compile_context>

<pallas_src>
import functools

import jax
import jax.numpy as jnp
from jax import lax
from jax.experimental import pallas as pl
from jax.experimental.pallas import tpu as pltpu
from jax.experimental.pallas import tpu_sc as plsc

_B = 100
_NPG = 100
_D = 128
_E = 320000
_K = (50, 25, 13)
_PADR = 104
_AROWS = _B * _PADR
_AFLAT = _AROWS * _NPG
_SH = 1040384
_NW = 32
_EW = _E // _NW
_NR = 79
_ZCH = _SH // 16


def _adj_body(src_hbm, dst_hbm, zero_hbm, out_hbm,
              src_v, dst_v, ones_v, acc_sh, sem):
    c = lax.axis_index("c")
    s = lax.axis_index("s")

    pltpu.sync_copy(zero_hbm.at[pl.ds(s * _ZCH, _ZCH)],
                    acc_sh.at[pl.ds(s * _ZCH, _ZCH)])

    base = (c * 16 + s) * _EW
    pltpu.sync_copy(src_hbm.at[pl.ds(base, _EW)], src_v)
    pltpu.sync_copy(dst_hbm.at[pl.ds(base, _EW)], dst_v)

    ones_v[...] = jnp.ones((16,), jnp.float32)

    plsc.subcore_barrier()

    def step(t, carry):
        sv = src_v[pl.ds(t * 16, 16)]
        dv = dst_v[pl.ds(t * 16, 16)]
        gq = lax.shift_right_logical(dv * 5243, 19)
        sq = lax.shift_right_logical(sv * 5243, 19)
        row = dv + gq * (_PADR - _NPG)
        col = sv - sq * _NPG
        f = row * _NPG + col
        pltpu.sync_copy(ones_v, acc_sh.at[f], add=True)
        return carry

    lax.fori_loop(0, _EW // 16, step, 0)

    plsc.subcore_barrier()

    @pl.when(s < 13)
    def _():
        pltpu.sync_copy(acc_sh.at[pl.ds(s * 80000, 80000)],
                        out_hbm.at[pl.ds(c * _AFLAT + s * 80000, 80000)])


@functools.cache
def _get_adj_kernel():
    return pl.kernel(
        _adj_body,
        mesh=plsc.VectorSubcoreMesh(core_axis_name="c", subcore_axis_name="s"),
        out_type=jax.ShapeDtypeStruct((2 * _AFLAT,), jnp.float32),
        scratch_types=[
            pltpu.VMEM((_EW,), jnp.int32),
            pltpu.VMEM((_EW,), jnp.int32),
            pltpu.VMEM((16,), jnp.float32),
            pltpu.VMEM_SHARED((_SH,), jnp.float32),
            pltpu.SemaphoreType.DMA,
        ],
    )


def _mm(a, b):
    return lax.dot_general(a, b, (((1,), (0,)), ((), ())),
                           preferred_element_type=jnp.float32)


def _fwd_body(at3_ref, xp_ref,
              w1r_ref, b1_ref, w1o_ref, p1_ref,
              w2r_ref, b2_ref, w2o_ref, p2_ref,
              w3r_ref, b3_ref, w3o_ref, p3_ref,
              l1w_ref, l1b_ref, l2w_ref, l2b_ref, l3w_ref, l3b_ref,
              out_ref,
              asum_ref, xm_ref, agg_ref, h_ref, nid_ref, roa_ref, rob_ref):
    asum_ref[...] = at3_ref[0] + at3_ref[1]

    stage_params = (
        (w1r_ref, b1_ref, w1o_ref, p1_ref),
        (w2r_ref, b2_ref, w2o_ref, p2_ref),
        (w3r_ref, b3_ref, w3o_ref, p3_ref),
    )

    for t in range(3):
        wr_ref, b_ref, wo_ref, p_ref = stage_params[t]
        k = _K[t]
        xsrc = xp_ref if t == 0 else xm_ref

        def a_body(g, carry):
            b = g * _PADR
            atg = asum_ref[pl.ds(b, _NPG), :]
            xg = xsrc[pl.ds(b, _NPG), :]
            agg_ref[pl.ds(b, _NPG), :] = lax.dot_general(
                atg, xg, (((1,), (0,)), ((), ())),
                precision=lax.Precision.HIGHEST,
                preferred_element_type=jnp.float32)
            return carry

        lax.fori_loop(0, _B, a_body, 0)

        bias = b_ref[...][None, :]
        h_ref[...] = jnp.maximum(
            _mm(agg_ref[...], wr_ref[...]) + (bias + _mm(xsrc[...], wo_ref[...])),
            0.0)

        p2d = p_ref[...][None, :]
        nrm = jnp.sqrt(jnp.sum(p2d * p2d)) + 1e-16

        def g_body(g, carry, t=t, k=k, p2d=p2d, nrm=nrm):
            b = g * _PADR
            hg = h_ref[pl.ds(b, _NPG), :]
            sdot = lax.dot_general(hg, p2d, (((1,), (1,)), ((), ())),
                                   preferred_element_type=jnp.float32)
            scol_t = jnp.tanh(sdot / nrm)
            if t == 0:
                ncol = lax.broadcasted_iota(
                    jnp.int32, (_NPG, 1), 0).astype(jnp.float32)
                scol_m = scol_t
            else:
                nrow_prev = nid_ref[pl.ds(g, 1), :]
                ncol = lax.transpose(nrow_prev, (1, 0))
                scol_m = jnp.where(ncol < 1e8, scol_t, -2.0)
            srow_m = lax.transpose(scol_m, (1, 0))
            nrow = lax.transpose(ncol, (1, 0))
            beat = jnp.where(
                (srow_m > scol_m) | ((srow_m == scol_m) & (nrow < ncol)),
                1.0, 0.0)
            rank_col = jnp.sum(beat, axis=1, keepdims=True)
            keep_col = jnp.where(rank_col < k, 1.0, 0.0)
            rank_row = 99.0 - jnp.sum(beat, axis=0, keepdims=True)
            nid_row = jnp.where(rank_row < k, rank_row, 1e9)
            nid_ref[pl.ds(g, 1), :] = nid_row
            xn = hg * scol_t * keep_col
            xm_ref[pl.ds(b, _NPG), :] = xn
            rmax = jnp.max(jnp.where(keep_col > 0, xn, -1e30),
                           axis=0, keepdims=True)
            rmean = jnp.sum(xn, axis=0, keepdims=True) / k
            if t == 0:
                roa_ref[pl.ds(g, 1), :] = rmax
                rob_ref[pl.ds(g, 1), :] = rmean
            else:
                roa_ref[pl.ds(g, 1), :] = roa_ref[pl.ds(g, 1), :] + rmax
                rob_ref[pl.ds(g, 1), :] = rob_ref[pl.ds(g, 1), :] + rmean
            return carry

        lax.fori_loop(0, _B, g_body, 0)

    ro = jnp.concatenate([roa_ref[...], rob_ref[...]], axis=1)
    z1 = jnp.maximum(_mm(ro, l1w_ref[...]) + l1b_ref[...][None, :], 0.0)
    z2 = jnp.maximum(_mm(z1, l2w_ref[...]) + l2b_ref[...][None, :], 0.0)
    z3 = _mm(z2, l3w_ref[...]) + l3b_ref[...][None, :]
    zmax = jnp.max(z3, axis=1, keepdims=True)
    zs = z3 - zmax
    lse = jnp.log(jnp.sum(jnp.exp(zs), axis=1, keepdims=True))
    out_ref[...] = zs - lse


def kernel(x, edge_index, batch, conv1_Wrel, conv1_brel, conv1_Wroot, p1,
           conv2_Wrel, conv2_brel, conv2_Wroot, p2,
           conv3_Wrel, conv3_brel, conv3_Wroot, p3,
           lin1_W, lin1_b, lin2_W, lin2_b, lin3_W, lin3_b):
    src = edge_index[0]
    dst = edge_index[1]
    zeros_init = jnp.zeros((_SH,), jnp.float32)

    ap = _get_adj_kernel()(src, dst, zeros_init)
    at3 = ap.reshape(2, _AROWS, _NPG)

    xp = jnp.pad(x.reshape(_B, _NPG, _D), ((0, 0), (0, _PADR - _NPG), (0, 0)))
    xp = xp.reshape(_AROWS, _D)

    out = pl.pallas_call(
        _fwd_body,
        out_shape=jax.ShapeDtypeStruct((_B, 10), jnp.float32),
        scratch_shapes=[
            pltpu.VMEM((_AROWS, _NPG), jnp.float32),
            pltpu.VMEM((_AROWS, _D), jnp.float32),
            pltpu.VMEM((_AROWS, _D), jnp.float32),
            pltpu.VMEM((_AROWS, _D), jnp.float32),
            pltpu.VMEM((_B, _NPG), jnp.float32),
            pltpu.VMEM((_B, _D), jnp.float32),
            pltpu.VMEM((_B, _D), jnp.float32),
        ],
    )(at3, xp, conv1_Wrel, conv1_brel, conv1_Wroot, p1,
      conv2_Wrel, conv2_brel, conv2_Wroot, p2,
      conv3_Wrel, conv3_brel, conv3_Wroot, p3,
      lin1_W, lin1_b, lin2_W, lin2_b, lin3_W, lin3_b)
    return out

# --- scband reference (transcript-rebuilt; emitter-appended) ---
"""Pipeline reference for scband-topkpool-8478265442581 (READ-ONLY COPY).

The authoritative reference and input builder live on the scoring server;
editing this copy changes nothing except your own understanding.
"""

import jax, jax.numpy as jnp
import numpy as np

B = 100
NPG = 100
D = 128
NC = 10
RATIO = 0.5
E = 320000
K1 = int(np.ceil(RATIO * NPG))
K2 = int(np.ceil(RATIO * K1))
K3 = int(np.ceil(RATIO * K2))


def setup_inputs(seed: int = 0):
    key = jax.random.key(seed)
    ks = jax.random.split(key, 20)
    N = B * NPG
    x = jax.random.normal(ks[0], (N, D), dtype=jnp.float32)
    g = jax.random.randint(ks[1], (E,), 0, B)
    src = g * NPG + jax.random.randint(ks[2], (E,), 0, NPG)
    dst = g * NPG + jax.random.randint(ks[3], (E,), 0, NPG)
    edge_index = jnp.stack([src, dst]).astype(jnp.int32)
    batch = (jnp.arange(N) // NPG).astype(jnp.int32)

    def w(k, shape):
        return jax.random.normal(k, shape, dtype=jnp.float32) * 0.05

    return {
        'x': x, 'edge_index': edge_index, 'batch': batch,
        'conv1_Wrel': w(ks[4], (D, 128)), 'conv1_brel': jnp.zeros((128,), jnp.float32), 'conv1_Wroot': w(ks[5], (D, 128)),
        'p1': w(ks[6], (128,)),
        'conv2_Wrel': w(ks[7], (128, 128)), 'conv2_brel': jnp.zeros((128,), jnp.float32), 'conv2_Wroot': w(ks[8], (128, 128)),
        'p2': w(ks[9], (128,)),
        'conv3_Wrel': w(ks[10], (128, 128)), 'conv3_brel': jnp.zeros((128,), jnp.float32), 'conv3_Wroot': w(ks[11], (128, 128)),
        'p3': w(ks[12], (128,)),
        'lin1_W': w(ks[13], (256, 128)), 'lin1_b': jnp.zeros((128,), jnp.float32),
        'lin2_W': w(ks[14], (128, 64)), 'lin2_b': jnp.zeros((64,), jnp.float32),
        'lin3_W': w(ks[15], (64, NC)), 'lin3_b': jnp.zeros((NC,), jnp.float32),
    }


def _graph_conv(x, src, dst, valid, Wrel, brel, Wroot):
    # PyG GraphConv: out = lin_rel(sum_{j->i} x_j) + lin_root(x_i)
    N = x.shape[0]
    xp = jnp.concatenate([x, jnp.zeros((1, x.shape[1]), x.dtype)], axis=0)
    s = jnp.where(valid, src, N)
    d = jnp.where(valid, dst, N)
    aggr = jax.ops.segment_sum(xp[s], d, num_segments=N + 1)[:N]
    return aggr @ Wrel + brel + x @ Wroot


def _topk_pool(x, src, dst, valid, p, nb, npg, k):
    # PyG TopKPooling: score = tanh((x.p)/||p||); keep top-k per graph; x = x[perm] * score[perm]
    score = jnp.tanh((x @ p) / (jnp.linalg.norm(p) + 1e-16))
    sg = score.reshape(nb, npg)
    _, idx = jax.lax.top_k(sg, k)
    perm = (jnp.arange(nb)[:, None] * npg + idx).reshape(-1)
    x_new = x[perm] * score[perm][:, None]
    new_id = jnp.full((nb * npg,), -1, dtype=src.dtype)
    new_id = new_id.at[perm].set(jnp.arange(nb * k, dtype=src.dtype))
    sn = new_id[src]
    dn = new_id[dst]
    v = valid & (sn >= 0) & (dn >= 0)
    sn = jnp.where(v, sn, 0)
    dn = jnp.where(v, dn, 0)
    return x_new, sn, dn, v


def _readout(x, nb, k):
    xg = x.reshape(nb, k, x.shape[-1])
    return jnp.concatenate([xg.max(axis=1), xg.mean(axis=1)], axis=1)


def _forward(x, edge_index, conv1_Wrel, conv1_brel, conv1_Wroot, p1, conv2_Wrel, conv2_brel, conv2_Wroot, p2, conv3_Wrel, conv3_brel, conv3_Wroot, p3, lin1_W, lin1_b, lin2_W, lin2_b, lin3_W, lin3_b):
    src = edge_index[0]
    dst = edge_index[1]
    valid = jnp.ones(src.shape, dtype=bool)
    h = jax.nn.relu(_graph_conv(x, src, dst, valid, conv1_Wrel, conv1_brel, conv1_Wroot))
    h, src, dst, valid = _topk_pool(h, src, dst, valid, p1, B, NPG, K1)
    x1 = _readout(h, B, K1)
    h = jax.nn.relu(_graph_conv(h, src, dst, valid, conv2_Wrel, conv2_brel, conv2_Wroot))
    h, src, dst, valid = _topk_pool(h, src, dst, valid, p2, B, K1, K2)
    x2 = _readout(h, B, K2)
    h = jax.nn.relu(_graph_conv(h, src, dst, valid, conv3_Wrel, conv3_brel, conv3_Wroot))
    h, src, dst, valid = _topk_pool(h, src, dst, valid, p3, B, K2, K3)
    x3 = _readout(h, B, K3)
    z = x1 + x2 + x3
    z = jax.nn.relu(z @ lin1_W + lin1_b)
    # dropout: inference mode (identity)
    z = jax.nn.relu(z @ lin2_W + lin2_b)
    return jax.nn.log_softmax(z @ lin3_W + lin3_b, axis=-1)


def reference(x, edge_index, batch, conv1_Wrel, conv1_brel, conv1_Wroot, p1, conv2_Wrel, conv2_brel, conv2_Wroot, p2, conv3_Wrel, conv3_brel, conv3_Wroot, p3, lin1_W, lin1_b, lin2_W, lin2_b, lin3_W, lin3_b):
    # batch is implicitly encoded as i // NPG (equal-size graphs); accepted for signature parity
    return _forward(x, edge_index, conv1_Wrel, conv1_brel, conv1_Wroot, p1, conv2_Wrel, conv2_brel, conv2_Wroot, p2, conv3_Wrel, conv3_brel, conv3_Wroot, p3, lin1_W, lin1_b, lin2_W, lin2_b, lin3_W, lin3_b)

if __name__ == "__main__":
    import jax
    _d = setup_inputs()
    print(jax.jit(kernel)(*tuple(_d.values())))

</pallas_src>

<mosaic_0001>
#map = affine_map<(d0, d1) -> (0)>
module attributes {stable_mosaic.version = 14 : i64} {
  func.func @_adj_body(%arg0: i32, %arg1: i32, %arg2: memref<320000xi32, #tpu.memory_space<hbm>>, %arg3: memref<320000xi32, #tpu.memory_space<hbm>>, %arg4: memref<1040384xf32, #tpu.memory_space<hbm>>, %arg5: memref<2080000xf32, #tpu.memory_space<hbm>>, %arg6: memref<10000xi32, #tpu.memory_space<vmem>>, %arg7: memref<10000xi32, #tpu.memory_space<vmem>>, %arg8: memref<16xf32, #tpu.memory_space<vmem>>, %arg9: memref<1040384xf32, #tpu.memory_space<vmem_shared>>, %arg10: memref<!tpu.dma_semaphore, #tpu.memory_space<semaphore_mem>>) attributes {dimension_semantics = [#tpu.dimension_semantics<core_parallel>, #tpu.dimension_semantics<subcore_parallel>], iteration_bounds = array<i64: 2, 16>, scalar_prefetch = 0 : i64, scratch_operands = 5 : i64, tpu.core_type = #tpu.core_type<sc_vector_subcore>, window_params = [{transform_indices = #map}, {transform_indices = #map}, {transform_indices = #map}, {transform_indices = #map}]} {
    %mul3A = arith.constant 65024 : i32
    %mul3A_0 = arith.muli %arg1, %mul3A : i32
    %mul3A_1 = arith.constant 65024 : i32
    %mul3A_2 = arith.muli %arg1, %mul3A_1 : i32
    "tpu.region"() ({
      %run_scoped3A = tpu.sem_alloc : memref<!tpu.dma_semaphore, #tpu.memory_space<semaphore_mem>>
      %dma_start3A = tpu.memref_slice %arg9[%mul3A_2] : memref<1040384xf32, #tpu.memory_space<vmem_shared>> -> memref<65024xf32, #tpu.memory_space<vmem_shared>>
      %dma_start3A_19 = tpu.memref_slice %arg4[%mul3A_0] : memref<1040384xf32, #tpu.memory_space<hbm>> -> memref<65024xf32, #tpu.memory_space<hbm>>
      tpu.enqueue_dma source(%dma_start3A_19 : memref<65024xf32, #tpu.memory_space<hbm>>) target(%dma_start3A : memref<65024xf32, #tpu.memory_space<vmem_shared>>) target_semaphore(%run_scoped3A : memref<!tpu.dma_semaphore, #tpu.memory_space<semaphore_mem>>)
      %dma_wait3A = tpu.memref_slice %arg9[%mul3A_2] : memref<1040384xf32, #tpu.memory_space<vmem_shared>> -> memref<65024xf32, #tpu.memory_space<vmem_shared>>
      %dma_wait3A_20 = tpu.memref_slice %arg4[%mul3A_0] : memref<1040384xf32, #tpu.memory_space<hbm>> -> memref<65024xf32, #tpu.memory_space<hbm>>
      tpu.wait_dma2 semaphore(%run_scoped3A : memref<!tpu.dma_semaphore, #tpu.memory_space<semaphore_mem>>) src(%dma_wait3A_20 : memref<65024xf32, #tpu.memory_space<hbm>>) dst(%dma_wait3A : memref<65024xf32, #tpu.memory_space<vmem_shared>>)
      tpu.yield
    }) : () -> ()
    %mul3A_3 = arith.constant 16 : i32
    %mul3A_4 = arith.muli %arg0, %mul3A_3 : i32
    %add3A = arith.addi %mul3A_4, %arg1 : i32
    %mul3A_5 = arith.constant 10000 : i32
    %mul3A_6 = arith.muli %add3A, %mul3A_5 : i32
    "tpu.region"() ({
      %run_scoped3A = tpu.sem_alloc : memref<!tpu.dma_semaphore, #tpu.memory_space<semaphore_mem>>
      %dma_start3A = tpu.memref_slice %arg2[%mul3A_6] : memref<320000xi32, #tpu.memory_space<hbm>> -> memref<10000xi32, #tpu.memory_space<hbm>>
      %dma_start3A_19 = tpu.memref_slice %arg2[%mul3A_6] : memref<320000xi32, #tpu.memory_space<hbm>> -> memref<10000xi32, #tpu.memory_space<hbm>>
      tpu.enqueue_dma source(%dma_start3A_19 : memref<10000xi32, #tpu.memory_space<hbm>>) target(%arg6 : memref<10000xi32, #tpu.memory_space<vmem>>) target_semaphore(%run_scoped3A : memref<!tpu.dma_semaphore, #tpu.memory_space<semaphore_mem>>)
      %dma_wait3A = tpu.memref_slice %arg2[%mul3A_6] : memref<320000xi32, #tpu.memory_space<hbm>> -> memref<10000xi32, #tpu.memory_space<hbm>>
      %dma_wait3A_20 = tpu.memref_slice %arg2[%mul3A_6] : memref<320000xi32, #tpu.memory_space<hbm>> -> memref<10000xi32, #tpu.memory_space<hbm>>
      tpu.wait_dma2 semaphore(%run_scoped3A : memref<!tpu.dma_semaphore, #tpu.memory_space<semaphore_mem>>) src(%dma_wait3A_20 : memref<10000xi32, #tpu.memory_space<hbm>>) dst(%arg6 : memref<10000xi32, #tpu.memory_space<vmem>>)
      tpu.yield
    }) : () -> ()
    "tpu.region"() ({
      %run_scoped3A = tpu.sem_alloc : memref<!tpu.dma_semaphore, #tpu.memory_space<semaphore_mem>>
      %dma_start3A = tpu.memref_slice %arg3[%mul3A_6] : memref<320000xi32, #tpu.memory_space<hbm>> -> memref<10000xi32, #tpu.memory_space<hbm>>
      %dma_start3A_19 = tpu.memref_slice %arg3[%mul3A_6] : memref<320000xi32, #tpu.memory_space<hbm>> -> memref<10000xi32, #tpu.memory_space<hbm>>
      tpu.enqueue_dma source(%dma_start3A_19 : memref<10000xi32, #tpu.memory_space<hbm>>) target(%arg7 : memref<10000xi32, #tpu.memory_space<vmem>>) target_semaphore(%run_scoped3A : memref<!tpu.dma_semaphore, #tpu.memory_space<semaphore_mem>>)
      %dma_wait3A = tpu.memref_slice %arg3[%mul3A_6] : memref<320000xi32, #tpu.memory_space<hbm>> -> memref<10000xi32, #tpu.memory_space<hbm>>
      %dma_wait3A_20 = tpu.memref_slice %arg3[%mul3A_6] : memref<320000xi32, #tpu.memory_space<hbm>> -> memref<10000xi32, #tpu.memory_space<hbm>>
      tpu.wait_dma2 semaphore(%run_scoped3A : memref<!tpu.dma_semaphore, #tpu.memory_space<semaphore_mem>>) src(%dma_wait3A_20 : memref<10000xi32, #tpu.memory_space<hbm>>) dst(%arg7 : memref<10000xi32, #tpu.memory_space<vmem>>)
      tpu.yield
    }) : () -> ()
    %broadcast_in_dim3A = arith.constant 1.000000e+00 : f32
    %broadcast_in_dim3A_7 = vector.broadcast %broadcast_in_dim3A : f32 to vector<16xf32>
    %swap3A = arith.constant 0 : index
    %swap3A_8 = tpu.vector_load %arg8[%swap3A] {strides = array<i32>} : memref<16xf32, #tpu.memory_space<vmem>>, vector<16xf32>,
    %swap3A_9 = vector.shape_cast %swap3A_8 : vector<16xf32> to vector<16xf32>
    %swap3A_10 = vector.shape_cast %broadcast_in_dim3A_7 : vector<16xf32> to vector<16xf32>
    tpu.vector_store %arg8[%swap3A], %swap3A_10 {strides = array<i32>} : memref<16xf32, #tpu.memory_space<vmem>>, vector<16xf32>,
    %barrier3A = arith.constant 0 : index
    tpu.barrier barrier_id(%barrier3A)
    %scan3A = arith.constant 0 : i32
    %scan3A_11 = arith.constant 0 : i32
    %scan3A_12 = arith.constant 625 : i32
    %scan3A_13 = arith.addi %scan3A_11, %scan3A_12 : i32
    %scan3A_14 = arith.constant 1 : i32
    scf.for %scan3A_19 = %scan3A_11 to %scan3A_13 step %scan3A_14  : i32 {
      %mul3A_20 = arith.constant 16 : i32
      %mul3A_21 = arith.muli %scan3A_19, %mul3A_20 : i32
      %get3A = arith.index_cast %mul3A_21 : i32 to index
      %get3A_22 = tpu.vector_load %arg6[%get3A] {strides = array<i32>} : memref<10000xi32, #tpu.memory_space<vmem>>, vector<16xi32>,
      %get3A_23 = vector.shape_cast %get3A_22 : vector<16xi32> to vector<16xi32>
      %mul3A_24 = arith.constant 16 : i32
      %mul3A_25 = arith.muli %scan3A_19, %mul3A_24 : i32
      %get3A_26 = arith.index_cast %mul3A_25 : i32 to index
      %get3A_27 = tpu.vector_load %arg7[%get3A_26] {strides = array<i32>} : memref<10000xi32, #tpu.memory_space<vmem>>, vector<16xi32>,
      %get3A_28 = vector.shape_cast %get3A_27 : vector<16xi32> to vector<16xi32>
      %mul3A_29 = arith.constant 5243 : i32
      %mul3A_30 = vector.broadcast %mul3A_29 : i32 to vector<16xi32>
      %mul3A_31 = arith.muli %get3A_28, %mul3A_30 : vector<16xi32>
      %shift_right_logical3A = arith.constant 19 : i32
      %shift_right_logical3A_32 = vector.broadcast %shift_right_logical3A : i32 to vector<16xi32>
      %shift_right_logical3A_33 = arith.shrui %mul3A_31, %shift_right_logical3A_32 : vector<16xi32>
      %mul3A_34 = arith.constant 5243 : i32
      %mul3A_35 = vector.broadcast %mul3A_34 : i32 to vector<16xi32>
      %mul3A_36 = arith.muli %get3A_23, %mul3A_35 : vector<16xi32>
      %shift_right_logical3A_37 = arith.constant 19 : i32
      %shift_right_logical3A_38 = vector.broadcast %shift_right_logical3A_37 : i32 to vector<16xi32>
      %shift_right_logical3A_39 = arith.shrui %mul3A_36, %shift_right_logical3A_38 : vector<16xi32>
      %mul3A_40 = arith.constant 4 : i32
      %mul3A_41 = vector.broadcast %mul3A_40 : i32 to vector<16xi32>
      %mul3A_42 = arith.muli %shift_right_logical3A_33, %mul3A_41 : vector<16xi32>
      %add3A_43 = arith.addi %get3A_28, %mul3A_42 : vector<16xi32>
      %mul3A_44 = arith.constant 100 : i32
      %mul3A_45 = vector.broadcast %mul3A_44 : i32 to vector<16xi32>
      %mul3A_46 = arith.muli %shift_right_logical3A_39, %mul3A_45 : vector<16xi32>
      %sub3A = arith.subi %get3A_23, %mul3A_46 : vector<16xi32>
      %mul3A_47 = arith.constant 100 : i32
      %mul3A_48 = vector.broadcast %mul3A_47 : i32 to vector<16xi32>
      %mul3A_49 = arith.muli %add3A_43, %mul3A_48 : vector<16xi32>
      %add3A_50 = arith.addi %mul3A_49, %sub3A : vector<16xi32>
      "tpu.region"() ({
        %run_scoped3A = tpu.sem_alloc : memref<!tpu.dma_semaphore, #tpu.memory_space<semaphore_mem>>
        %dma_start3A = arith.constant 0 : i32
        %dma_start3A_51 = tpu.memref_slice %arg9[%dma_start3A] : memref<1040384xf32, #tpu.memory_space<vmem_shared>> -> memref<1040384xf32, #tpu.memory_space<vmem_shared>>
        tpu.enqueue_indirect_dma source(%arg8 : memref<16xf32, #tpu.memory_space<vmem>>) target(%dma_start3A_51 : memref<1040384xf32, #tpu.memory_space<vmem_shared>>) offsets(%add3A_50 : vector<16xi32>) semaphore(%run_scoped3A : memref<!tpu.dma_semaphore, #tpu.memory_space<semaphore_mem>>) {add = true}
        %dma_wait3A = arith.constant 0 : i32
        %dma_wait3A_52 = tpu.memref_slice %arg9[%dma_wait3A] : memref<1040384xf32, #tpu.memory_space<vmem_shared>> -> memref<1040384xf32, #tpu.memory_space<vmem_shared>>
        tpu.wait_indirect_dma semaphore(%run_scoped3A : memref<!tpu.dma_semaphore, #tpu.memory_space<semaphore_mem>>) src(%arg8 : memref<16xf32, #tpu.memory_space<vmem>>) dst(%dma_wait3A_52 : memref<1040384xf32, #tpu.memory_space<vmem_shared>>)
        tpu.yield
      }) : () -> ()
    }
    %scan3A_15 = arith.constant 625 : i32
    %barrier3A_16 = arith.constant 0 : index
    tpu.barrier barrier_id(%barrier3A_16)
    %lt3A = arith.constant 13 : i32
    %lt3A_17 = arith.cmpi slt, %arg1, %lt3A : i32
    %convert_element_type3A = arith.extui %lt3A_17 : i1 to i32
    %cond3A = arith.constant 0 : i32
    %cond3A_18 = arith.cmpi ne, %convert_element_type3A, %cond3A : i32
    scf.if %cond3A_18 {
      %mul3A_19 = arith.constant 80000 : i32
      %mul3A_20 = arith.muli %arg1, %mul3A_19 : i32
      %mul3A_21 = arith.constant 1040000 : i32
      %mul3A_22 = arith.muli %arg0, %mul3A_21 : i32
      %mul3A_23 = arith.constant 80000 : i32
      %mul3A_24 = arith.muli %arg1, %mul3A_23 : i32
      %add3A_25 = arith.addi %mul3A_22, %mul3A_24 : i32
      "tpu.region"() ({
        %run_scoped3A = tpu.sem_alloc : memref<!tpu.dma_semaphore, #tpu.memory_space<semaphore_mem>>
        %dma_start3A = tpu.memref_slice %arg5[%add3A_25] : memref<2080000xf32, #tpu.memory_space<hbm>> -> memref<80000xf32, #tpu.memory_space<hbm>>
        %dma_start3A_26 = tpu.memref_slice %arg9[%mul3A_20] : memref<1040384xf32, #tpu.memory_space<vmem_shared>> -> memref<80000xf32, #tpu.memory_space<vmem_shared>>
        tpu.enqueue_dma source(%dma_start3A_26 : memref<80000xf32, #tpu.memory_space<vmem_shared>>) target(%dma_start3A : memref<80000xf32, #tpu.memory_space<hbm>>) target_semaphore(%run_scoped3A : memref<!tpu.dma_semaphore, #tpu.memory_space<semaphore_mem>>)
        %dma_wait3A = tpu.memref_slice %arg5[%add3A_25] : memref<2080000xf32, #tpu.memory_space<hbm>> -> memref<80000xf32, #tpu.memory_space<hbm>>
        %dma_wait3A_27 = tpu.memref_slice %arg9[%mul3A_20] : memref<1040384xf32, #tpu.memory_space<vmem_shared>> -> memref<80000xf32, #tpu.memory_space<vmem_shared>>
        tpu.wait_dma2 semaphore(%run_scoped3A : memref<!tpu.dma_semaphore, #tpu.memory_space<semaphore_mem>>) src(%dma_wait3A_27 : memref<80000xf32, #tpu.memory_space<vmem_shared>>) dst(%dma_wait3A : memref<80000xf32, #tpu.memory_space<hbm>>)
        tpu.yield
      }) : () -> ()
    } else {
    }
    return
  }
}

module attributes {stable_mosaic.version = 14 : i64} {
  func.func @_fwd_body(%arg0: memref<2x10400x100xf32, #tpu.memory_space<vmem>>, %arg1: memref<10400x128xf32, #tpu.memory_space<vmem>>, %arg2: memref<128x128xf32, #tpu.memory_space<vmem>>, %arg3: memref<128xf32, #tpu.memory_space<vmem>>, %arg4: memref<128x128xf32, #tpu.memory_space<vmem>>, %arg5: memref<128xf32, #tpu.memory_space<vmem>>, %arg6: memref<128x128xf32, #tpu.memory_space<vmem>>, %arg7: memref<128xf32, #tpu.memory_space<vmem>>, %arg8: memref<128x128xf32, #tpu.memory_space<vmem>>, %arg9: memref<128xf32, #tpu.memory_space<vmem>>, %arg10: memref<128x128xf32, #tpu.memory_space<vmem>>, %arg11: memref<128xf32, #tpu.memory_space<vmem>>, %arg12: memref<128x128xf32, #tpu.memory_space<vmem>>, %arg13: memref<128xf32, #tpu.memory_space<vmem>>, %arg14: memref<256x128xf32, #tpu.memory_space<vmem>>, %arg15: memref<128xf32, #tpu.memory_space<vmem>>, %arg16: memref<128x64xf32, #tpu.memory_space<vmem>>, %arg17: memref<64xf32, #tpu.memory_space<vmem>>, %arg18: memref<64x10xf32, #tpu.memory_space<vmem>>, %arg19: memref<10xf32, #tpu.memory_space<vmem>>, %arg20: memref<100x10xf32, #tpu.memory_space<vmem>>, %arg21: memref<10400x100xf32, #tpu.memory_space<vmem>>, %arg22: memref<10400x128xf32, #tpu.memory_space<vmem>>, %arg23: memref<10400x128xf32, #tpu.memory_space<vmem>>, %arg24: memref<10400x128xf32, #tpu.memory_space<vmem>>, %arg25: memref<100x100xf32, #tpu.memory_space<vmem>>, %arg26: memref<100x128xf32, #tpu.memory_space<vmem>>, %arg27: memref<100x128xf32, #tpu.memory_space<vmem>>) attributes {dimension_semantics = [], scalar_prefetch = 0 : i64, scratch_operands = 7 : i64, tpu.core_type = #tpu.core_type<tc>} {
    %get3A = arith.constant 0 : index
    %get3A_0 = arith.constant 0 : index
    %get3A_1 = arith.constant 0 : index
    %get3A_2 = vector.load %arg0[%get3A, %get3A_0, %get3A_1] : memref<2x10400x100xf32, #tpu.memory_space<vmem>>, vector<1x10400x100xf32>
    %get3A_3 = vector.shape_cast %get3A_2 : vector<1x10400x100xf32> to vector<10400x100xf32>
    %get3A_4 = arith.constant 1 : index
    %get3A_5 = arith.constant 0 : index
    %get3A_6 = arith.constant 0 : index
    %get3A_7 = vector.load %arg0[%get3A_4, %get3A_5, %get3A_6] : memref<2x10400x100xf32, #tpu.memory_space<vmem>>, vector<1x10400x100xf32>
    %get3A_8 = vector.shape_cast %get3A_7 : vector<1x10400x100xf32> to vector<10400x100xf32>
    %add3A = arith.addf %get3A_3, %get3A_8 : vector<10400x100xf32>
    %swap3A = arith.constant 0 : index
    %swap3A_9 = arith.constant 0 : index
    %swap3A_10 = vector.load %arg21[%swap3A, %swap3A_9] : memref<10400x100xf32, #tpu.memory_space<vmem>>, vector<10400x100xf32>
    tpu.vector_store %arg21[%swap3A, %swap3A_9], %add3A {strides = array<i32>} : memref<10400x100xf32, #tpu.memory_space<vmem>>, vector<10400x100xf32>,
    %scan3A = arith.constant 0 : i32
    %scan3A_11 = arith.constant 100 : i32
    %scan3A_12 = arith.addi %scan3A, %scan3A_11 : i32
    %scan3A_13 = arith.constant 1 : i32
    scf.for %scan3A_207 = %scan3A to %scan3A_12 step %scan3A_13  : i32 {
      %mul3A_208 = arith.constant 104 : i32
      %mul3A_209 = arith.muli %scan3A_207, %mul3A_208 : i32
      %get3A_210 = arith.index_cast %mul3A_209 : i32 to index
      %get3A_211 = arith.constant 0 : index
      %get3A_212 = vector.load %arg21[%get3A_210, %get3A_211] : memref<10400x100xf32, #tpu.memory_space<vmem>>, vector<100x100xf32>
      %get3A_213 = arith.index_cast %mul3A_209 : i32 to index
      %get3A_214 = arith.constant 0 : index
      %get3A_215 = vector.load %arg1[%get3A_213, %get3A_214] : memref<10400x128xf32, #tpu.memory_space<vmem>>, vector<100x128xf32>
      %dot_general3A_216 = arith.constant dense<0.000000e+00> : vector<100x128xf32>
      %dot_general3A_217 = tpu.matmul %get3A_212, %get3A_215, %dot_general3A_216 {dimension_numbers = #tpu.dot_dimension_numbers<[1], [0], [0], [1], [0, 0, 1, 1], [], []>, precision = #tpu.contract_precision<fp32>, transpose_lhs_hint = false} : vector<100x100xf32>, vector<100x128xf32>, vector<100x128xf32> -> vector<100x128xf32>
      %swap3A_218 = arith.index_cast %mul3A_209 : i32 to index
      %swap3A_219 = arith.constant 0 : index
      %swap3A_220 = vector.load %arg23[%swap3A_218, %swap3A_219] : memref<10400x128xf32, #tpu.memory_space<vmem>>, vector<100x128xf32>
      tpu.vector_store %arg23[%swap3A_218, %swap3A_219], %dot_general3A_217 {strides = array<i32>} : memref<10400x128xf32, #tpu.memory_space<vmem>>, vector<100x128xf32>,
    }
    %scan3A_14 = arith.constant 100 : i32
    %get3A_15 = arith.constant 0 : index
    %get3A_16 = vector.load %arg3[%get3A_15] : memref<128xf32, #tpu.memory_space<vmem>>, vector<128xf32>
    %broadcast_in_dim3A = vector.shape_cast %get3A_16 : vector<128xf32> to vector<1x128xf32>
    %get3A_17 = arith.constant 0 : index
    %get3A_18 = arith.constant 0 : index
    %get3A_19 = vector.load %arg23[%get3A_17, %get3A_18] : memref<10400x128xf32, #tpu.memory_space<vmem>>, vector<10400x128xf32>
    %get3A_20 = arith.constant 0 : index
    %get3A_21 = arith.constant 0 : index
    %get3A_22 = vector.load %arg2[%get3A_20, %get3A_21] : memref<128x128xf32, #tpu.memory_space<vmem>>, vector<128x128xf32>
    %dot_general3A = arith.constant dense<0.000000e+00> : vector<10400x128xf32>
    %dot_general3A_23 = tpu.matmul %get3A_19, %get3A_22, %dot_general3A {dimension_numbers = #tpu.dot_dimension_numbers<[1], [0], [0], [1], [0, 0, 1, 1], [], []>, transpose_lhs_hint = false} : vector<10400x128xf32>, vector<128x128xf32>, vector<10400x128xf32> -> vector<10400x128xf32>
    %get3A_24 = arith.constant 0 : index
    %get3A_25 = arith.constant 0 : index
    %get3A_26 = vector.load %arg1[%get3A_24, %get3A_25] : memref<10400x128xf32, #tpu.memory_space<vmem>>, vector<10400x128xf32>
    %get3A_27 = arith.constant 0 : index
    %get3A_28 = arith.constant 0 : index
    %get3A_29 = vector.load %arg4[%get3A_27, %get3A_28] : memref<128x128xf32, #tpu.memory_space<vmem>>, vector<128x128xf32>
    %dot_general3A_30 = arith.constant dense<0.000000e+00> : vector<10400x128xf32>
    %dot_general3A_31 = tpu.matmul %get3A_26, %get3A_29, %dot_general3A_30 {dimension_numbers = #tpu.dot_dimension_numbers<[1], [0], [0], [1], [0, 0, 1, 1], [], []>, transpose_lhs_hint = false} : vector<10400x128xf32>, vector<128x128xf32>, vector<10400x128xf32> -> vector<10400x128xf32>
    %add3A_32 = vector.broadcast %broadcast_in_dim3A : vector<1x128xf32> to vector<10400x128xf32>
    %add3A_33 = arith.addf %add3A_32, %dot_general3A_31 : vector<10400x128xf32>
    %add3A_34 = arith.addf %dot_general3A_23, %add3A_33 : vector<10400x128xf32>
    %max3A = arith.constant 0.000000e+00 : f32
    %max3A_35 = vector.broadcast %max3A : f32 to vector<10400x128xf32>
    %max3A_36 = arith.maximumf %add3A_34, %max3A_35 : vector<10400x128xf32>
    %swap3A_37 = arith.constant 0 : index
    %swap3A_38 = arith.constant 0 : index
    %swap3A_39 = vector.load %arg24[%swap3A_37, %swap3A_38] : memref<10400x128xf32, #tpu.memory_space<vmem>>, vector<10400x128xf32>
    tpu.vector_store %arg24[%swap3A_37, %swap3A_38], %max3A_36 {strides = array<i32>} : memref<10400x128xf32, #tpu.memory_space<vmem>>, vector<10400x128xf32>,
    %get3A_40 = arith.constant 0 : index
    %get3A_41 = vector.load %arg5[%get3A_40] : memref<128xf32, #tpu.memory_space<vmem>>, vector<128xf32>
    %broadcast_in_dim3A_42 = vector.shape_cast %get3A_41 : vector<128xf32> to vector<1x128xf32>
    %mul3A = arith.mulf %broadcast_in_dim3A_42, %broadcast_in_dim3A_42 : vector<1x128xf32>
    %reduce_sum3A = vector.shape_cast %mul3A : vector<1x128xf32> to vector<1x1x128xf32>
    %reduce_sum3A_43 = arith.constant dense<0.000000e+00> : vector<1xf32>
    %reduce_sum3A_44 = vector.multi_reduction <add>, %reduce_sum3A, %reduce_sum3A_43 [1, 2] : vector<1x1x128xf32> to vector<1xf32>
    %reduce_sum3A_45 = vector.shape_cast %reduce_sum3A_44 : vector<1xf32> to vector<1x1x1xf32>
    %reduce_sum3A_46 = vector.extract %reduce_sum3A_45[0, 0, 0] : f32 from vector<1x1x1xf32>
    %sqrt3A = math.sqrt %reduce_sum3A_46 : f32
    %add3A_47 = arith.constant 1.000000e-16 : f32
    %add3A_48 = arith.addf %sqrt3A, %add3A_47 : f32
    %scan3A_49 = arith.constant 0 : i32
    %scan3A_50 = arith.constant 100 : i32
    %scan3A_51 = arith.addi %scan3A_49, %scan3A_50 : i32
    %scan3A_52 = arith.constant 1 : i32
    scf.for %scan3A_207 = %scan3A_49 to %scan3A_51 step %scan3A_52  : i32 {
      %mul3A_208 = arith.constant 104 : i32
      %mul3A_209 = arith.muli %scan3A_207, %mul3A_208 : i32
      %get3A_210 = arith.index_cast %mul3A_209 : i32 to index
      %get3A_211 = arith.constant 0 : index
      %get3A_212 = vector.load %arg24[%get3A_210, %get3A_211] : memref<10400x128xf32, #tpu.memory_space<vmem>>, vector<100x128xf32>
      %dot_general3A_213 = arith.constant dense<0.000000e+00> : vector<100x1xf32>
      %dot_general3A_214 = tpu.matmul %get3A_212, %broadcast_in_dim3A_42, %dot_general3A_213 {dimension_numbers = #tpu.dot_dimension_numbers<[1], [1], [0], [0], [0, 0, 1, 0], [], []>, transpose_lhs_hint = false} : vector<100x128xf32>, vector<1x128xf32>, vector<100x1xf32> -> vector<100x1xf32>
      %div3A = vector.broadcast %add3A_48 : f32 to vector<100x1xf32>
      %div3A_215 = arith.divf %dot_general3A_214, %div3A : vector<100x1xf32>
      %tanh3A = math.tanh %div3A_215 : vector<100x1xf32>
      %iota3A = tpu.iota {dimensions = array<i32: 0>} : vector<100x1xi32>
      %convert_element_type3A = arith.sitofp %iota3A : vector<100x1xi32> to vector<100x1xf32>
      %transpose3A = tpu.transpose %tanh3A, [1, 0] : vector<100x1xf32> -> vector<1x100xf32>
      %transpose3A_216 = tpu.transpose %convert_element_type3A, [1, 0] : vector<100x1xf32> -> vector<1x100xf32>
      %gt3A = vector.broadcast %transpose3A : vector<1x100xf32> to vector<100x100xf32>
      %gt3A_217 = vector.broadcast %tanh3A : vector<100x1xf32> to vector<100x100xf32>
      %gt3A_218 = arith.cmpf ogt, %gt3A, %gt3A_217 : vector<100x100xf32>
      %eq3A = vector.broadcast %transpose3A : vector<1x100xf32> to vector<100x100xf32>
      %eq3A_219 = vector.broadcast %tanh3A : vector<100x1xf32> to vector<100x100xf32>
      %eq3A_220 = arith.cmpf oeq, %eq3A, %eq3A_219 : vector<100x100xf32>
      %lt3A = vector.broadcast %transpose3A_216 : vector<1x100xf32> to vector<100x100xf32>
      %lt3A_221 = vector.broadcast %convert_element_type3A : vector<100x1xf32> to vector<100x100xf32>
      %lt3A_222 = arith.cmpf olt, %lt3A, %lt3A_221 : vector<100x100xf32>
      %and3A = arith.andi %eq3A_220, %lt3A_222 : vector<100x100xi1>
      %or3A = arith.ori %gt3A_218, %and3A : vector<100x100xi1>
      %jit3A = arith.constant 1.000000e+00 : f32
      %jit3A_223 = arith.constant 0.000000e+00 : f32
      %broadcast_in_dim3A_224 = vector.broadcast %jit3A : f32 to vector<100x100xf32>
      %broadcast_in_dim3A_225 = vector.broadcast %jit3A_223 : f32 to vector<100x100xf32>
      %select_n3A = arith.select %or3A, %broadcast_in_dim3A_224, %broadcast_in_dim3A_225 : vector<100x100xi1>, vector<100x100xf32>
      %reduce_sum3A_226 = arith.constant dense<0.000000e+00> : vector<100xf32>
      %reduce_sum3A_227 = vector.multi_reduction <add>, %select_n3A, %reduce_sum3A_226 [1] : vector<100x100xf32> to vector<100xf32>
      %broadcast_in_dim3A_228 = vector.shape_cast %reduce_sum3A_227 : vector<100xf32> to vector<100x1xf32>
      %lt3A_229 = arith.constant 5.000000e+01 : f32
      %lt3A_230 = vector.broadcast %lt3A_229 : f32 to vector<100x1xf32>
      %lt3A_231 = arith.cmpf olt, %broadcast_in_dim3A_228, %lt3A_230 : vector<100x1xf32>
      %jit3A_232 = arith.constant 1.000000e+00 : f32
      %jit3A_233 = arith.constant 0.000000e+00 : f32
      %broadcast_in_dim3A_234 = vector.broadcast %jit3A_232 : f32 to vector<100x1xf32>
      %broadcast_in_dim3A_235 = vector.broadcast %jit3A_233 : f32 to vector<100x1xf32>
      %select_n3A_236 = arith.select %lt3A_231, %broadcast_in_dim3A_234, %broadcast_in_dim3A_235 : vector<100x1xi1>, vector<100x1xf32>
      %reduce_sum3A_237 = arith.constant dense<0.000000e+00> : vector<100xf32>
      %reduce_sum3A_238 = vector.multi_reduction <add>, %select_n3A, %reduce_sum3A_237 [0] : vector<100x100xf32> to vector<100xf32>
      %broadcast_in_dim3A_239 = vector.shape_cast %reduce_sum3A_238 : vector<100xf32> to vector<1x100xf32>
      %sub3A_240 = arith.constant 9.900000e+01 : f32
      %sub3A_241 = vector.broadcast %sub3A_240 : f32 to vector<1x100xf32>
      %sub3A_242 = arith.subf %sub3A_241, %broadcast_in_dim3A_239 : vector<1x100xf32>
      %lt3A_243 = arith.constant 5.000000e+01 : f32
      %lt3A_244 = vector.broadcast %lt3A_243 : f32 to vector<1x100xf32>
      %lt3A_245 = arith.cmpf olt, %sub3A_242, %lt3A_244 : vector<1x100xf32>
      %jit3A_246 = arith.constant 1.000000e+09 : f32
      %broadcast_in_dim3A_247 = vector.broadcast %jit3A_246 : f32 to vector<1x100xf32>
      %select_n3A_248 = arith.select %lt3A_245, %sub3A_242, %broadcast_in_dim3A_247 : vector<1x100xi1>, vector<1x100xf32>
      %swap3A_249 = arith.index_cast %scan3A_207 : i32 to index
      %swap3A_250 = arith.constant 0 : index
      %swap3A_251 = vector.load %arg25[%swap3A_249, %swap3A_250] : memref<100x100xf32, #tpu.memory_space<vmem>>, vector<1x100xf32>
      tpu.vector_store %arg25[%swap3A_249, %swap3A_250], %select_n3A_248 {strides = array<i32>} : memref<100x100xf32, #tpu.memory_space<vmem>>, vector<1x100xf32>,
      %mul3A_252 = vector.broadcast %tanh3A : vector<100x1xf32> to vector<100x128xf32>
      %mul3A_253 = arith.mulf %get3A_212, %mul3A_252 : vector<100x128xf32>
      %mul3A_254 = vector.broadcast %select_n3A_236 : vector<100x1xf32> to vector<100x128xf32>
      %mul3A_255 = arith.mulf %mul3A_253, %mul3A_254 : vector<100x128xf32>
      %swap3A_256 = arith.index_cast %mul3A_209 : i32 to index
      %swap3A_257 = arith.constant 0 : index
      %swap3A_258 = vector.load %arg22[%swap3A_256, %swap3A_257] : memref<10400x128xf32, #tpu.memory_space<vmem>>, vector<100x128xf32>
      tpu.vector_store %arg22[%swap3A_256, %swap3A_257], %mul3A_255 {strides = array<i32>} : memref<10400x128xf32, #tpu.memory_space<vmem>>, vector<100x128xf32>,
      %gt3A_259 = arith.constant 0.000000e+00 : f32
      %gt3A_260 = vector.broadcast %gt3A_259 : f32 to vector<100x1xf32>
      %gt3A_261 = arith.cmpf ogt, %select_n3A_236, %gt3A_260 : vector<100x1xf32>
      %jit3A_262 = arith.constant -1.000000e+30 : f32
      %broadcast_in_dim3A_263 = vector.shape_cast %gt3A_261 : vector<100x1xi1> to vector<100x1xi1>
      %broadcast_in_dim3A_264 = vector.broadcast %broadcast_in_dim3A_263 : vector<100x1xi1> to vector<100x128xi1>
      %broadcast_in_dim3A_265 = vector.broadcast %jit3A_262 : f32 to vector<100x128xf32>
      %select_n3A_266 = arith.select %broadcast_in_dim3A_264, %mul3A_255, %broadcast_in_dim3A_265 : vector<100x128xi1>, vector<100x128xf32>
      %reduce_max3A_267 = arith.constant dense<0xFF800000> : vector<128xf32>
      %reduce_max3A_268 = vector.multi_reduction <maximumf>, %select_n3A_266, %reduce_max3A_267 [0] : vector<100x128xf32> to vector<128xf32>
      %broadcast_in_dim3A_269 = vector.shape_cast %reduce_max3A_268 : vector<128xf32> to vector<1x128xf32>
      %reduce_sum3A_270 = arith.constant dense<0.000000e+00> : vector<128xf32>
      %reduce_sum3A_271 = vector.multi_reduction <add>, %mul3A_255, %reduce_sum3A_270 [0] : vector<100x128xf32> to vector<128xf32>
      %broadcast_in_dim3A_272 = vector.shape_cast %reduce_sum3A_271 : vector<128xf32> to vector<1x128xf32>
      %div3A_273 = arith.constant 5.000000e+01 : f32
      %div3A_274 = vector.broadcast %div3A_273 : f32 to vector<1x128xf32>
      %div3A_275 = arith.divf %broadcast_in_dim3A_272, %div3A_274 : vector<1x128xf32>
      %swap3A_276 = arith.index_cast %scan3A_207 : i32 to index
      %swap3A_277 = arith.constant 0 : index
      %swap3A_278 = vector.load %arg26[%swap3A_276, %swap3A_277] : memref<100x128xf32, #tpu.memory_space<vmem>>, vector<1x128xf32>
      tpu.vector_store %arg26[%swap3A_276, %swap3A_277], %broadcast_in_dim3A_269 {strides = array<i32>} : memref<100x128xf32, #tpu.memory_space<vmem>>, vector<1x128xf32>,
      %swap3A_279 = arith.index_cast %scan3A_207 : i32 to index
      %swap3A_280 = arith.constant 0 : index
      %swap3A_281 = vector.load %arg27[%swap3A_279, %swap3A_280] : memref<100x128xf32, #tpu.memory_space<vmem>>, vector<1x128xf32>
      tpu.vector_store %arg27[%swap3A_279, %swap3A_280], %div3A_275 {strides = array<i32>} : memref<100x128xf32, #tpu.memory_space<vmem>>, vector<1x128xf32>,
    }
    %scan3A_53 = arith.constant 100 : i32
    %scan3A_54 = arith.constant 0 : i32
    %scan3A_55 = arith.constant 100 : i32
    %scan3A_56 = arith.addi %scan3A_54, %scan3A_55 : i32
    %scan3A_57 = arith.constant 1 : i32
    scf.for %scan3A_207 = %scan3A_54 to %scan3A_56 step %scan3A_57  : i32 {
      %mul3A_208 = arith.constant 104 : i32
      %mul3A_209 = arith.muli %scan3A_207, %mul3A_208 : i32
      %get3A_210 = arith.index_cast %mul3A_209 : i32 to index
      %get3A_211 = arith.constant 0 : index
      %get3A_212 = vector.load %arg21[%get3A_210, %get3A_211] : memref<10400x100xf32, #tpu.memory_space<vmem>>, vector<100x100xf32>
      %get3A_213 = arith.index_cast %mul3A_209 : i32 to index
      %get3A_214 = arith.constant 0 : index
      %get3A_215 = vector.load %arg22[%get3A_213, %get3A_214] : memref<10400x128xf32, #tpu.memory_space<vmem>>, vector<100x128xf32>
      %dot_general3A_216 = arith.constant dense<0.000000e+00> : vector<100x128xf32>
      %dot_general3A_217 = tpu.matmul %get3A_212, %get3A_215, %dot_general3A_216 {dimension_numbers = #tpu.dot_dimension_numbers<[1], [0], [0], [1], [0, 0, 1, 1], [], []>, precision = #tpu.contract_precision<fp32>, transpose_lhs_hint = false} : vector<100x100xf32>, vector<100x128xf32>, vector<100x128xf32> -> vector<100x128xf32>
      %swap3A_218 = arith.index_cast %mul3A_209 : i32 to index
      %swap3A_219 = arith.constant 0 : index
      %swap3A_220 = vector.load %arg23[%swap3A_218, %swap3A_219] : memref<10400x128xf32, #tpu.memory_space<vmem>>, vector<100x128xf32>
      tpu.vector_store %arg23[%swap3A_218, %swap3A_219], %dot_general3A_217 {strides = array<i32>} : memref<10400x128xf32, #tpu.memory_space<vmem>>, vector<100x128xf32>,
    }
    %scan3A_58 = arith.constant 100 : i32
    %get3A_59 = arith.constant 0 : index
    %get3A_60 = vector.load %arg7[%get3A_59] : memref<128xf32, #tpu.memory_space<vmem>>, vector<128xf32>
    %broadcast_in_dim3A_61 = vector.shape_cast %get3A_60 : vector<128xf32> to vector<1x128xf32>
    %get3A_62 = arith.constant 0 : index
    %get3A_63 = arith.constant 0 : index
    %get3A_64 = vector.load %arg23[%get3A_62, %get3A_63] : memref<10400x128xf32, #tpu.memory_space<vmem>>, vector<10400x128xf32>
    %get3A_65 = arith.constant 0 : index
    %get3A_66 = arith.constant 0 : index
    %get3A_67 = vector.load %arg6[%get3A_65, %get3A_66] : memref<128x128xf32, #tpu.memory_space<vmem>>, vector<128x128xf32>
    %dot_general3A_68 = arith.constant dense<0.000000e+00> : vector<10400x128xf32>
    %dot_general3A_69 = tpu.matmul %get3A_64, %get3A_67, %dot_general3A_68 {dimension_numbers = #tpu.dot_dimension_numbers<[1], [0], [0], [1], [0, 0, 1, 1], [], []>, transpose_lhs_hint = false} : vector<10400x128xf32>, vector<128x128xf32>, vector<10400x128xf32> -> vector<10400x128xf32>
    %get3A_70 = arith.constant 0 : index
    %get3A_71 = arith.constant 0 : index
    %get3A_72 = vector.load %arg22[%get3A_70, %get3A_71] : memref<10400x128xf32, #tpu.memory_space<vmem>>, vector<10400x128xf32>
    %get3A_73 = arith.constant 0 : index
    %get3A_74 = arith.constant 0 : index
    %get3A_75 = vector.load %arg8[%get3A_73, %get3A_74] : memref<128x128xf32, #tpu.memory_space<vmem>>, vector<128x128xf32>
    %dot_general3A_76 = arith.constant dense<0.000000e+00> : vector<10400x128xf32>
    %dot_general3A_77 = tpu.matmul %get3A_72, %get3A_75, %dot_general3A_76 {dimension_numbers = #tpu.dot_dimension_numbers<[1], [0], [0], [1], [0, 0, 1, 1], [], []>, transpose_lhs_hint = false} : vector<10400x128xf32>, vector<128x128xf32>, vector<10400x128xf32> -> vector<10400x128xf32>
    %add3A_78 = vector.broadcast %broadcast_in_dim3A_61 : vector<1x128xf32> to vector<10400x128xf32>
    %add3A_79 = arith.addf %add3A_78, %dot_general3A_77 : vector<10400x128xf32>
    %add3A_80 = arith.addf %dot_general3A_69, %add3A_79 : vector<10400x128xf32>
    %max3A_81 = arith.constant 0.000000e+00 : f32
    %max3A_82 = vector.broadcast %max3A_81 : f32 to vector<10400x128xf32>
    %max3A_83 = arith.maximumf %add3A_80, %max3A_82 : vector<10400x128xf32>
    %swap3A_84 = arith.constant 0 : index
    %swap3A_85 = arith.constant 0 : index
    %swap3A_86 = vector.load %arg24[%swap3A_84, %swap3A_85] : memref<10400x128xf32, #tpu.memory_space<vmem>>, vector<10400x128xf32>
    tpu.vector_store %arg24[%swap3A_84, %swap3A_85], %max3A_83 {strides = array<i32>} : memref<10400x128xf32, #tpu.memory_space<vmem>>, vector<10400x128xf32>,
    %get3A_87 = arith.constant 0 : index
    %get3A_88 = vector.load %arg9[%get3A_87] : memref<128xf32, #tpu.memory_space<vmem>>, vector<128xf32>
    %broadcast_in_dim3A_89 = vector.shape_cast %get3A_88 : vector<128xf32> to vector<1x128xf32>
    %mul3A_90 = arith.mulf %broadcast_in_dim3A_89, %broadcast_in_dim3A_89 : vector<1x128xf32>
    %reduce_sum3A_91 = vector.shape_cast %mul3A_90 : vector<1x128xf32> to vector<1x1x128xf32>
    %reduce_sum3A_92 = arith.constant dense<0.000000e+00> : vector<1xf32>
    %reduce_sum3A_93 = vector.multi_reduction <add>, %reduce_sum3A_91, %reduce_sum3A_92 [1, 2] : vector<1x1x128xf32> to vector<1xf32>
    %reduce_sum3A_94 = vector.shape_cast %reduce_sum3A_93 : vector<1xf32> to vector<1x1x1xf32>
    %reduce_sum3A_95 = vector.extract %reduce_sum3A_94[0, 0, 0] : f32 from vector<1x1x1xf32>
    %sqrt3A_96 = math.sqrt %reduce_sum3A_95 : f32
    %add3A_97 = arith.constant 1.000000e-16 : f32
    %add3A_98 = arith.addf %sqrt3A_96, %add3A_97 : f32
    %scan3A_99 = arith.constant 0 : i32
    %scan3A_100 = arith.constant 100 : i32
    %scan3A_101 = arith.addi %scan3A_99, %scan3A_100 : i32
    %scan3A_102 = arith.constant 1 : i32
    scf.for %scan3A_207 = %scan3A_99 to %scan3A_101 step %scan3A_102  : i32 {
      %mul3A_208 = arith.constant 104 : i32
      %mul3A_209 = arith.muli %scan3A_207, %mul3A_208 : i32
      %get3A_210 = arith.index_cast %mul3A_209 : i32 to index
      %get3A_211 = arith.constant 0 : index
      %get3A_212 = vector.load %arg24[%get3A_210, %get3A_211] : memref<10400x128xf32, #tpu.memory_space<vmem>>, vector<100x128xf32>
      %dot_general3A_213 = arith.constant dense<0.000000e+00> : vector<100x1xf32>
      %dot_general3A_214 = tpu.matmul %get3A_212, %broadcast_in_dim3A_89, %dot_general3A_213 {dimension_numbers = #tpu.dot_dimension_numbers<[1], [1], [0], [0], [0, 0, 1, 0], [], []>, transpose_lhs_hint = false} : vector<100x128xf32>, vector<1x128xf32>, vector<100x1xf32> -> vector<100x1xf32>
      %div3A = vector.broadcast %add3A_98 : f32 to vector<100x1xf32>
      %div3A_215 = arith.divf %dot_general3A_214, %div3A : vector<100x1xf32>
      %tanh3A = math.tanh %div3A_215 : vector<100x1xf32>
      %get3A_216 = arith.index_cast %scan3A_207 : i32 to index
      %get3A_217 = arith.constant 0 : index
      %get3A_218 = vector.load %arg25[%get3A_216, %get3A_217] : memref<100x100xf32, #tpu.memory_space<vmem>>, vector<1x100xf32>
      %transpose3A = tpu.transpose %get3A_218, [1, 0] : vector<1x100xf32> -> vector<100x1xf32>
      %lt3A = arith.constant 1.000000e+08 : f32
      %lt3A_219 = vector.broadcast %lt3A : f32 to vector<100x1xf32>
      %lt3A_220 = arith.cmpf olt, %transpose3A, %lt3A_219 : vector<100x1xf32>
      %jit3A = arith.constant -2.000000e+00 : f32
      %broadcast_in_dim3A_221 = vector.broadcast %jit3A : f32 to vector<100x1xf32>
      %select_n3A = arith.select %lt3A_220, %tanh3A, %broadcast_in_dim3A_221 : vector<100x1xi1>, vector<100x1xf32>
      %transpose3A_222 = tpu.transpose %select_n3A, [1, 0] : vector<100x1xf32> -> vector<1x100xf32>
      %transpose3A_223 = tpu.transpose %transpose3A, [1, 0] : vector<100x1xf32> -> vector<1x100xf32>
      %gt3A = vector.broadcast %transpose3A_222 : vector<1x100xf32> to vector<100x100xf32>
      %gt3A_224 = vector.broadcast %select_n3A : vector<100x1xf32> to vector<100x100xf32>
      %gt3A_225 = arith.cmpf ogt, %gt3A, %gt3A_224 : vector<100x100xf32>
      %eq3A = vector.broadcast %transpose3A_222 : vector<1x100xf32> to vector<100x100xf32>
      %eq3A_226 = vector.broadcast %select_n3A : vector<100x1xf32> to vector<100x100xf32>
      %eq3A_227 = arith.cmpf oeq, %eq3A, %eq3A_226 : vector<100x100xf32>
      %lt3A_228 = vector.broadcast %transpose3A_223 : vector<1x100xf32> to vector<100x100xf32>
      %lt3A_229 = vector.broadcast %transpose3A : vector<100x1xf32> to vector<100x100xf32>
      %lt3A_230 = arith.cmpf olt, %lt3A_228, %lt3A_229 : vector<100x100xf32>
      %and3A = arith.andi %eq3A_227, %lt3A_230 : vector<100x100xi1>
      %or3A = arith.ori %gt3A_225, %and3A : vector<100x100xi1>
      %jit3A_231 = arith.constant 1.000000e+00 : f32
      %jit3A_232 = arith.constant 0.000000e+00 : f32
      %broadcast_in_dim3A_233 = vector.broadcast %jit3A_231 : f32 to vector<100x100xf32>
      %broadcast_in_dim3A_234 = vector.broadcast %jit3A_232 : f32 to vector<100x100xf32>
      %select_n3A_235 = arith.select %or3A, %broadcast_in_dim3A_233, %broadcast_in_dim3A_234 : vector<100x100xi1>, vector<100x100xf32>
      %reduce_sum3A_236 = arith.constant dense<0.000000e+00> : vector<100xf32>
      %reduce_sum3A_237 = vector.multi_reduction <add>, %select_n3A_235, %reduce_sum3A_236 [1] : vector<100x100xf32> to vector<100xf32>
      %broadcast_in_dim3A_238 = vector.shape_cast %reduce_sum3A_237 : vector<100xf32> to vector<100x1xf32>
      %lt3A_239 = arith.constant 2.500000e+01 : f32
      %lt3A_240 = vector.broadcast %lt3A_239 : f32 to vector<100x1xf32>
      %lt3A_241 = arith.cmpf olt, %broadcast_in_dim3A_238, %lt3A_240 : vector<100x1xf32>
      %jit3A_242 = arith.constant 1.000000e+00 : f32
      %jit3A_243 = arith.constant 0.000000e+00 : f32
      %broadcast_in_dim3A_244 = vector.broadcast %jit3A_242 : f32 to vector<100x1xf32>
      %broadcast_in_dim3A_245 = vector.broadcast %jit3A_243 : f32 to vector<100x1xf32>
      %select_n3A_246 = arith.select %lt3A_241, %broadcast_in_dim3A_244, %broadcast_in_dim3A_245 : vector<100x1xi1>, vector<100x1xf32>
      %reduce_sum3A_247 = arith.constant dense<0.000000e+00> : vector<100xf32>
      %reduce_sum3A_248 = vector.multi_reduction <add>, %select_n3A_235, %reduce_sum3A_247 [0] : vector<100x100xf32> to vector<100xf32>
      %broadcast_in_dim3A_249 = vector.shape_cast %reduce_sum3A_248 : vector<100xf32> to vector<1x100xf32>
      %sub3A_250 = arith.constant 9.900000e+01 : f32
      %sub3A_251 = vector.broadcast %sub3A_250 : f32 to vector<1x100xf32>
      %sub3A_252 = arith.subf %sub3A_251, %broadcast_in_dim3A_249 : vector<1x100xf32>
      %lt3A_253 = arith.constant 2.500000e+01 : f32
      %lt3A_254 = vector.broadcast %lt3A_253 : f32 to vector<1x100xf32>
      %lt3A_255 = arith.cmpf olt, %sub3A_252, %lt3A_254 : vector<1x100xf32>
      %jit3A_256 = arith.constant 1.000000e+09 : f32
      %broadcast_in_dim3A_257 = vector.broadcast %jit3A_256 : f32 to vector<1x100xf32>
      %select_n3A_258 = arith.select %lt3A_255, %sub3A_252, %broadcast_in_dim3A_257 : vector<1x100xi1>, vector<1x100xf32>
      %swap3A_259 = arith.index_cast %scan3A_207 : i32 to index
      %swap3A_260 = arith.constant 0 : index
      %swap3A_261 = vector.load %arg25[%swap3A_259, %swap3A_260] : memref<100x100xf32, #tpu.memory_space<vmem>>, vector<1x100xf32>
      tpu.vector_store %arg25[%swap3A_259, %swap3A_260], %select_n3A_258 {strides = array<i32>} : memref<100x100xf32, #tpu.memory_space<vmem>>, vector<1x100xf32>,
      %mul3A_262 = vector.broadcast %tanh3A : vector<100x1xf32> to vector<100x128xf32>
      %mul3A_263 = arith.mulf %get3A_212, %mul3A_262 : vector<100x128xf32>
      %mul3A_264 = vector.broadcast %select_n3A_246 : vector<100x1xf32> to vector<100x128xf32>
      %mul3A_265 = arith.mulf %mul3A_263, %mul3A_264 : vector<100x128xf32>
      %swap3A_266 = arith.index_cast %mul3A_209 : i32 to index
      %swap3A_267 = arith.constant 0 : index
      %swap3A_268 = vector.load %arg22[%swap3A_266, %swap3A_267] : memref<10400x128xf32, #tpu.memory_space<vmem>>, vector<100x128xf32>
      tpu.vector_store %arg22[%swap3A_266, %swap3A_267], %mul3A_265 {strides = array<i32>} : memref<10400x128xf32, #tpu.memory_space<vmem>>, vector<100x128xf32>,
      %gt3A_269 = arith.constant 0.000000e+00 : f32
      %gt3A_270 = vector.broadcast %gt3A_269 : f32 to vector<100x1xf32>
      %gt3A_271 = arith.cmpf ogt, %select_n3A_246, %gt3A_270 : vector<100x1xf32>
      %jit3A_272 = arith.constant -1.000000e+30 : f32
      %broadcast_in_dim3A_273 = vector.shape_cast %gt3A_271 : vector<100x1xi1> to vector<100x1xi1>
      %broadcast_in_dim3A_274 = vector.broadcast %broadcast_in_dim3A_273 : vector<100x1xi1> to vector<100x128xi1>
      %broadcast_in_dim3A_275 = vector.broadcast %jit3A_272 : f32 to vector<100x128xf32>
      %select_n3A_276 = arith.select %broadcast_in_dim3A_274, %mul3A_265, %broadcast_in_dim3A_275 : vector<100x128xi1>, vector<100x128xf32>
      %reduce_max3A_277 = arith.constant dense<0xFF800000> : vector<128xf32>
      %reduce_max3A_278 = vector.multi_reduction <maximumf>, %select_n3A_276, %reduce_max3A_277 [0] : vector<100x128xf32> to vector<128xf32>
      %broadcast_in_dim3A_279 = vector.shape_cast %reduce_max3A_278 : vector<128xf32> to vector<1x128xf32>
      %reduce_sum3A_280 = arith.constant dense<0.000000e+00> : vector<128xf32>
      %reduce_sum3A_281 = vector.multi_reduction <add>, %mul3A_265, %reduce_sum3A_280 [0] : vector<100x128xf32> to vector<128xf32>
      %broadcast_in_dim3A_282 = vector.shape_cast %reduce_sum3A_281 : vector<128xf32> to vector<1x128xf32>
      %div3A_283 = arith.constant 2.500000e+01 : f32
      %div3A_284 = vector.broadcast %div3A_283 : f32 to vector<1x128xf32>
      %div3A_285 = arith.divf %broadcast_in_dim3A_282, %div3A_284 : vector<1x128xf32>
      %get3A_286 = arith.index_cast %scan3A_207 : i32 to index
      %get3A_287 = arith.constant 0 : index
      %get3A_288 = vector.load %arg26[%get3A_286, %get3A_287] : memref<100x128xf32, #tpu.memory_space<vmem>>, vector<1x128xf32>
      %add3A_289 = arith.addf %get3A_288, %broadcast_in_dim3A_279 : vector<1x128xf32>
      %swap3A_290 = arith.index_cast %scan3A_207 : i32 to index
      %swap3A_291 = arith.constant 0 : index
      %swap3A_292 = vector.load %arg26[%swap3A_290, %swap3A_291] : memref<100x128xf32, #tpu.memory_space<vmem>>, vector<1x128xf32>
      tpu.vector_store %arg26[%swap3A_290, %swap3A_291], %add3A_289 {strides = array<i32>} : memref<100x128xf32, #tpu.memory_space<vmem>>, vector<1x128xf32>,
      %get3A_293 = arith.index_cast %scan3A_207 : i32 to index
      %get3A_294 = arith.constant 0 : index
      %get3A_295 = vector.load %arg27[%get3A_293, %get3A_294] : memref<100x128xf32, #tpu.memory_space<vmem>>, vector<1x128xf32>
      %add3A_296 = arith.addf %get3A_295, %div3A_285 : vector<1x128xf32>
      %swap3A_297 = arith.index_cast %scan3A_207 : i32 to index
      %swap3A_298 = arith.constant 0 : index
      %swap3A_299 = vector.load %arg27[%swap3A_297, %swap3A_298] : memref<100x128xf32, #tpu.memory_space<vmem>>, vector<1x128xf32>
      tpu.vector_store %arg27[%swap3A_297, %swap3A_298], %add3A_296 {strides = array<i32>} : memref<100x128xf32, #tpu.memory_space<vmem>>, vector<1x128xf32>,
    }
    %scan3A_103 = arith.constant 100 : i32
    %scan3A_104 = arith.constant 0 : i32
    %scan3A_105 = arith.constant 100 : i32
    %scan3A_106 = arith.addi %scan3A_104, %scan3A_105 : i32
    %scan3A_107 = arith.constant 1 : i32
    scf.for %scan3A_207 = %scan3A_104 to %scan3A_106 step %scan3A_107  : i32 {
      %mul3A_208 = arith.constant 104 : i32
      %mul3A_209 = arith.muli %scan3A_207, %mul3A_208 : i32
      %get3A_210 = arith.index_cast %mul3A_209 : i32 to index
      %get3A_211 = arith.constant 0 : index
      %get3A_212 = vector.load %arg21[%get3A_210, %get3A_211] : memref<10400x100xf32, #tpu.memory_space<vmem>>, vector<100x100xf32>
      %get3A_213 = arith.index_cast %mul3A_209 : i32 to index
      %get3A_214 = arith.constant 0 : index
      %get3A_215 = vector.load %arg22[%get3A_213, %get3A_214] : memref<10400x128xf32, #tpu.memory_space<vmem>>, vector<100x128xf32>
      %dot_general3A_216 = arith.constant dense<0.000000e+00> : vector<100x128xf32>
      %dot_general3A_217 = tpu.matmul %get3A_212, %get3A_215, %dot_general3A_216 {dimension_numbers = #tpu.dot_dimension_numbers<[1], [0], [0], [1], [0, 0, 1, 1], [], []>, precision = #tpu.contract_precision<fp32>, transpose_lhs_hint = false} : vector<100x100xf32>, vector<100x128xf32>, vector<100x128xf32> -> vector<100x128xf32>
      %swap3A_218 = arith.index_cast %mul3A_209 : i32 to index
      %swap3A_219 = arith.constant 0 : index
      %swap3A_220 = vector.load %arg23[%swap3A_218, %swap3A_219] : memref<10400x128xf32, #tpu.memory_space<vmem>>, vector<100x128xf32>
      tpu.vector_store %arg23[%swap3A_218, %swap3A_219], %dot_general3A_217 {strides = array<i32>} : memref<10400x128xf32, #tpu.memory_space<vmem>>, vector<100x128xf32>,
    }
    %scan3A_108 = arith.constant 100 : i32
    %get3A_109 = arith.constant 0 : index
    %get3A_110 = vector.load %arg11[%get3A_109] : memref<128xf32, #tpu.memory_space<vmem>>, vector<128xf32>
    %broadcast_in_dim3A_111 = vector.shape_cast %get3A_110 : vector<128xf32> to vector<1x128xf32>
    %get3A_112 = arith.constant 0 : index
    %get3A_113 = arith.constant 0 : index
    %get3A_114 = vector.load %arg23[%get3A_112, %get3A_113] : memref<10400x128xf32, #tpu.memory_space<vmem>>, vector<10400x128xf32>
    %get3A_115 = arith.constant 0 : index
    %get3A_116 = arith.constant 0 : index
    %get3A_117 = vector.load %arg10[%get3A_115, %get3A_116] : memref<128x128xf32, #tpu.memory_space<vmem>>, vector<128x128xf32>
    %dot_general3A_118 = arith.constant dense<0.000000e+00> : vector<10400x128xf32>
    %dot_general3A_119 = tpu.matmul %get3A_114, %get3A_117, %dot_general3A_118 {dimension_numbers = #tpu.dot_dimension_numbers<[1], [0], [0], [1], [0, 0, 1, 1], [], []>, transpose_lhs_hint = false} : vector<10400x128xf32>, vector<128x128xf32>, vector<10400x128xf32> -> vector<10400x128xf32>
    %get3A_120 = arith.constant 0 : index
    %get3A_121 = arith.constant 0 : index
    %get3A_122 = vector.load %arg22[%get3A_120, %get3A_121] : memref<10400x128xf32, #tpu.memory_space<vmem>>, vector<10400x128xf32>
    %get3A_123 = arith.constant 0 : index
    %get3A_124 = arith.constant 0 : index
    %get3A_125 = vector.load %arg12[%get3A_123, %get3A_124] : memref<128x128xf32, #tpu.memory_space<vmem>>, vector<128x128xf32>
    %dot_general3A_126 = arith.constant dense<0.000000e+00> : vector<10400x128xf32>
    %dot_general3A_127 = tpu.matmul %get3A_122, %get3A_125, %dot_general3A_126 {dimension_numbers = #tpu.dot_dimension_numbers<[1], [0], [0], [1], [0, 0, 1, 1], [], []>, transpose_lhs_hint = false} : vector<10400x128xf32>, vector<128x128xf32>, vector<10400x128xf32> -> vector<10400x128xf32>
    %add3A_128 = vector.broadcast %broadcast_in_dim3A_111 : vector<1x128xf32> to vector<10400x128xf32>
    %add3A_129 = arith.addf %add3A_128, %dot_general3A_127 : vector<10400x128xf32>
    %add3A_130 = arith.addf %dot_general3A_119, %add3A_129 : vector<10400x128xf32>
    %max3A_131 = arith.constant 0.000000e+00 : f32
    %max3A_132 = vector.broadcast %max3A_131 : f32 to vector<10400x128xf32>
    %max3A_133 = arith.maximumf %add3A_130, %max3A_132 : vector<10400x128xf32>
    %swap3A_134 = arith.constant 0 : index
    %swap3A_135 = arith.constant 0 : index
    %swap3A_136 = vector.load %arg24[%swap3A_134, %swap3A_135] : memref<10400x128xf32, #tpu.memory_space<vmem>>, vector<10400x128xf32>
    tpu.vector_store %arg24[%swap3A_134, %swap3A_135], %max3A_133 {strides = array<i32>} : memref<10400x128xf32, #tpu.memory_space<vmem>>, vector<10400x128xf32>,
    %get3A_137 = arith.constant 0 : index
    %get3A_138 = vector.load %arg13[%get3A_137] : memref<128xf32, #tpu.memory_space<vmem>>, vector<128xf32>
    %broadcast_in_dim3A_139 = vector.shape_cast %get3A_138 : vector<128xf32> to vector<1x128xf32>
    %mul3A_140 = arith.mulf %broadcast_in_dim3A_139, %broadcast_in_dim3A_139 : vector<1x128xf32>
    %reduce_sum3A_141 = vector.shape_cast %mul3A_140 : vector<1x128xf32> to vector<1x1x128xf32>
    %reduce_sum3A_142 = arith.constant dense<0.000000e+00> : vector<1xf32>
    %reduce_sum3A_143 = vector.multi_reduction <add>, %reduce_sum3A_141, %reduce_sum3A_142 [1, 2] : vector<1x1x128xf32> to vector<1xf32>
    %reduce_sum3A_144 = vector.shape_cast %reduce_sum3A_143 : vector<1xf32> to vector<1x1x1xf32>
    %reduce_sum3A_145 = vector.extract %reduce_sum3A_144[0, 0, 0] : f32 from vector<1x1x1xf32>
    %sqrt3A_146 = math.sqrt %reduce_sum3A_145 : f32
    %add3A_147 = arith.constant 1.000000e-16 : f32
    %add3A_148 = arith.addf %sqrt3A_146, %add3A_147 : f32
    %scan3A_149 = arith.constant 0 : i32
    %scan3A_150 = arith.constant 100 : i32
    %scan3A_151 = arith.addi %scan3A_149, %scan3A_150 : i32
    %scan3A_152 = arith.constant 1 : i32
    scf.for %scan3A_207 = %scan3A_149 to %scan3A_151 step %scan3A_152  : i32 {
      %mul3A_208 = arith.constant 104 : i32
      %mul3A_209 = arith.muli %scan3A_207, %mul3A_208 : i32
      %get3A_210 = arith.index_cast %mul3A_209 : i32 to index
      %get3A_211 = arith.constant 0 : index
      %get3A_212 = vector.load %arg24[%get3A_210, %get3A_211] : memref<10400x128xf32, #tpu.memory_space<vmem>>, vector<100x128xf32>
      %dot_general3A_213 = arith.constant dense<0.000000e+00> : vector<100x1xf32>
      %dot_general3A_214 = tpu.matmul %get3A_212, %broadcast_in_dim3A_139, %dot_general3A_213 {dimension_numbers = #tpu.dot_dimension_numbers<[1], [1], [0], [0], [0, 0, 1, 0], [], []>, transpose_lhs_hint = false} : vector<100x128xf32>, vector<1x128xf32>, vector<100x1xf32> -> vector<100x1xf32>
      %div3A = vector.broadcast %add3A_148 : f32 to vector<100x1xf32>
      %div3A_215 = arith.divf %dot_general3A_214, %div3A : vector<100x1xf32>
      %tanh3A = math.tanh %div3A_215 : vector<100x1xf32>
      %get3A_216 = arith.index_cast %scan3A_207 : i32 to index
      %get3A_217 = arith.constant 0 : index
      %get3A_218 = vector.load %arg25[%get3A_216, %get3A_217] : memref<100x100xf32, #tpu.memory_space<vmem>>, vector<1x100xf32>
      %transpose3A = tpu.transpose %get3A_218, [1, 0] : vector<1x100xf32> -> vector<100x1xf32>
      %lt3A = arith.constant 1.000000e+08 : f32
      %lt3A_219 = vector.broadcast %lt3A : f32 to vector<100x1xf32>
      %lt3A_220 = arith.cmpf olt, %transpose3A, %lt3A_219 : vector<100x1xf32>
      %jit3A = arith.constant -2.000000e+00 : f32
      %broadcast_in_dim3A_221 = vector.broadcast %jit3A : f32 to vector<100x1xf32>
      %select_n3A = arith.select %lt3A_220, %tanh3A, %broadcast_in_dim3A_221 : vector<100x1xi1>, vector<100x1xf32>
      %transpose3A_222 = tpu.transpose %select_n3A, [1, 0] : vector<100x1xf32> -> vector<1x100xf32>
      %transpose3A_223 = tpu.transpose %transpose3A, [1, 0] : vector<100x1xf32> -> vector<1x100xf32>
      %gt3A = vector.broadcast %transpose3A_222 : vector<1x100xf32> to vector<100x100xf32>
      %gt3A_224 = vector.broadcast %select_n3A : vector<100x1xf32> to vector<100x100xf32>
      %gt3A_225 = arith.cmpf ogt, %gt3A, %gt3A_224 : vector<100x100xf32>
      %eq3A = vector.broadcast %transpose3A_222 : vector<1x100xf32> to vector<100x100xf32>
      %eq3A_226 = vector.broadcast %select_n3A : vector<100x1xf32> to vector<100x100xf32>
      %eq3A_227 = arith.cmpf oeq, %eq3A, %eq3A_226 : vector<100x100xf32>
      %lt3A_228 = vector.broadcast %transpose3A_223 : vector<1x100xf32> to vector<100x100xf32>
      %lt3A_229 = vector.broadcast %transpose3A : vector<100x1xf32> to vector<100x100xf32>
      %lt3A_230 = arith.cmpf olt, %lt3A_228, %lt3A_229 : vector<100x100xf32>
      %and3A = arith.andi %eq3A_227, %lt3A_230 : vector<100x100xi1>
      %or3A = arith.ori %gt3A_225, %and3A : vector<100x100xi1>
      %jit3A_231 = arith.constant 1.000000e+00 : f32
      %jit3A_232 = arith.constant 0.000000e+00 : f32
      %broadcast_in_dim3A_233 = vector.broadcast %jit3A_231 : f32 to vector<100x100xf32>
      %broadcast_in_dim3A_234 = vector.broadcast %jit3A_232 : f32 to vector<100x100xf32>
      %select_n3A_235 = arith.select %or3A, %broadcast_in_dim3A_233, %broadcast_in_dim3A_234 : vector<100x100xi1>, vector<100x100xf32>
      %reduce_sum3A_236 = arith.constant dense<0.000000e+00> : vector<100xf32>
      %reduce_sum3A_237 = vector.multi_reduction <add>, %select_n3A_235, %reduce_sum3A_236 [1] : vector<100x100xf32> to vector<100xf32>
      %broadcast_in_dim3A_238 = vector.shape_cast %reduce_sum3A_237 : vector<100xf32> to vector<100x1xf32>
      %lt3A_239 = arith.constant 1.300000e+01 : f32
      %lt3A_240 = vector.broadcast %lt3A_239 : f32 to vector<100x1xf32>
      %lt3A_241 = arith.cmpf olt, %broadcast_in_dim3A_238, %lt3A_240 : vector<100x1xf32>
      %jit3A_242 = arith.constant 1.000000e+00 : f32
      %jit3A_243 = arith.constant 0.000000e+00 : f32
      %broadcast_in_dim3A_244 = vector.broadcast %jit3A_242 : f32 to vector<100x1xf32>
      %broadcast_in_dim3A_245 = vector.broadcast %jit3A_243 : f32 to vector<100x1xf32>
      %select_n3A_246 = arith.select %lt3A_241, %broadcast_in_dim3A_244, %broadcast_in_dim3A_245 : vector<100x1xi1>, vector<100x1xf32>
      %reduce_sum3A_247 = arith.constant dense<0.000000e+00> : vector<100xf32>
      %reduce_sum3A_248 = vector.multi_reduction <add>, %select_n3A_235, %reduce_sum3A_247 [0] : vector<100x100xf32> to vector<100xf32>
      %broadcast_in_dim3A_249 = vector.shape_cast %reduce_sum3A_248 : vector<100xf32> to vector<1x100xf32>
      %sub3A_250 = arith.constant 9.900000e+01 : f32
      %sub3A_251 = vector.broadcast %sub3A_250 : f32 to vector<1x100xf32>
      %sub3A_252 = arith.subf %sub3A_251, %broadcast_in_dim3A_249 : vector<1x100xf32>
      %lt3A_253 = arith.constant 1.300000e+01 : f32
      %lt3A_254 = vector.broadcast %lt3A_253 : f32 to vector<1x100xf32>
      %lt3A_255 = arith.cmpf olt, %sub3A_252, %lt3A_254 : vector<1x100xf32>
      %jit3A_256 = arith.constant 1.000000e+09 : f32
      %broadcast_in_dim3A_257 = vector.broadcast %jit3A_256 : f32 to vector<1x100xf32>
      %select_n3A_258 = arith.select %lt3A_255, %sub3A_252, %broadcast_in_dim3A_257 : vector<1x100xi1>, vector<1x100xf32>
      %swap3A_259 = arith.index_cast %scan3A_207 : i32 to index
      %swap3A_260 = arith.constant 0 : index
      %swap3A_261 = vector.load %arg25[%swap3A_259, %swap3A_260] : memref<100x100xf32, #tpu.memory_space<vmem>>, vector<1x100xf32>
      tpu.vector_store %arg25[%swap3A_259, %swap3A_260], %select_n3A_258 {strides = array<i32>} : memref<100x100xf32, #tpu.memory_space<vmem>>, vector<1x100xf32>,
      %mul3A_262 = vector.broadcast %tanh3A : vector<100x1xf32> to vector<100x128xf32>
      %mul3A_263 = arith.mulf %get3A_212, %mul3A_262 : vector<100x128xf32>
      %mul3A_264 = vector.broadcast %select_n3A_246 : vector<100x1xf32> to vector<100x128xf32>
      %mul3A_265 = arith.mulf %mul3A_263, %mul3A_264 : vector<100x128xf32>
      %swap3A_266 = arith.index_cast %mul3A_209 : i32 to index
      %swap3A_267 = arith.constant 0 : index
      %swap3A_268 = vector.load %arg22[%swap3A_266, %swap3A_267] : memref<10400x128xf32, #tpu.memory_space<vmem>>, vector<100x128xf32>
      tpu.vector_store %arg22[%swap3A_266, %swap3A_267], %mul3A_265 {strides = array<i32>} : memref<10400x128xf32, #tpu.memory_space<vmem>>, vector<100x128xf32>,
      %gt3A_269 = arith.constant 0.000000e+00 : f32
      %gt3A_270 = vector.broadcast %gt3A_269 : f32 to vector<100x1xf32>
      %gt3A_271 = arith.cmpf ogt, %select_n3A_246, %gt3A_270 : vector<100x1xf32>
      %jit3A_272 = arith.constant -1.000000e+30 : f32
      %broadcast_in_dim3A_273 = vector.shape_cast %gt3A_271 : vector<100x1xi1> to vector<100x1xi1>
      %broadcast_in_dim3A_274 = vector.broadcast %broadcast_in_dim3A_273 : vector<100x1xi1> to vector<100x128xi1>
      %broadcast_in_dim3A_275 = vector.broadcast %jit3A_272 : f32 to vector<100x128xf32>
      %select_n3A_276 = arith.select %broadcast_in_dim3A_274, %mul3A_265, %broadcast_in_dim3A_275 : vector<100x128xi1>, vector<100x128xf32>
      %reduce_max3A_277 = arith.constant dense<0xFF800000> : vector<128xf32>
      %reduce_max3A_278 = vector.multi_reduction <maximumf>, %select_n3A_276, %reduce_max3A_277 [0] : vector<100x128xf32> to vector<128xf32>
      %broadcast_in_dim3A_279 = vector.shape_cast %reduce_max3A_278 : vector<128xf32> to vector<1x128xf32>
      %reduce_sum3A_280 = arith.constant dense<0.000000e+00> : vector<128xf32>
      %reduce_sum3A_281 = vector.multi_reduction <add>, %mul3A_265, %reduce_sum3A_280 [0] : vector<100x128xf32> to vector<128xf32>
      %broadcast_in_dim3A_282 = vector.shape_cast %reduce_sum3A_281 : vector<128xf32> to vector<1x128xf32>
      %div3A_283 = arith.constant 1.300000e+01 : f32
      %div3A_284 = vector.broadcast %div3A_283 : f32 to vector<1x128xf32>
      %div3A_285 = arith.divf %broadcast_in_dim3A_282, %div3A_284 : vector<1x128xf32>
      %get3A_286 = arith.index_cast %scan3A_207 : i32 to index
      %get3A_287 = arith.constant 0 : index
      %get3A_288 = vector.load %arg26[%get3A_286, %get3A_287] : memref<100x128xf32, #tpu.memory_space<vmem>>, vector<1x128xf32>
      %add3A_289 = arith.addf %get3A_288, %broadcast_in_dim3A_279 : vector<1x128xf32>
      %swap3A_290 = arith.index_cast %scan3A_207 : i32 to index
      %swap3A_291 = arith.constant 0 : index
      %swap3A_292 = vector.load %arg26[%swap3A_290, %swap3A_291] : memref<100x128xf32, #tpu.memory_space<vmem>>, vector<1x128xf32>
      tpu.vector_store %arg26[%swap3A_290, %swap3A_291], %add3A_289 {strides = array<i32>} : memref<100x128xf32, #tpu.memory_space<vmem>>, vector<1x128xf32>,
      %get3A_293 = arith.index_cast %scan3A_207 : i32 to index
      %get3A_294 = arith.constant 0 : index
      %get3A_295 = vector.load %arg27[%get3A_293, %get3A_294] : memref<100x128xf32, #tpu.memory_space<vmem>>, vector<1x128xf32>
      %add3A_296 = arith.addf %get3A_295, %div3A_285 : vector<1x128xf32>
      %swap3A_297 = arith.index_cast %scan3A_207 : i32 to index
      %swap3A_298 = arith.constant 0 : index
      %swap3A_299 = vector.load %arg27[%swap3A_297, %swap3A_298] : memref<100x128xf32, #tpu.memory_space<vmem>>, vector<1x128xf32>
      tpu.vector_store %arg27[%swap3A_297, %swap3A_298], %add3A_296 {strides = array<i32>} : memref<100x128xf32, #tpu.memory_space<vmem>>, vector<1x128xf32>,
    }
    %scan3A_153 = arith.constant 100 : i32
    %get3A_154 = arith.constant 0 : index
    %get3A_155 = arith.constant 0 : index
    %get3A_156 = vector.load %arg26[%get3A_154, %get3A_155] : memref<100x128xf32, #tpu.memory_space<vmem>>, vector<100x128xf32>
    %get3A_157 = arith.constant 0 : index
    %get3A_158 = arith.constant 0 : index
    %get3A_159 = vector.load %arg27[%get3A_157, %get3A_158] : memref<100x128xf32, #tpu.memory_space<vmem>>, vector<100x128xf32>
    %concatenate3A = tpu.concatenate %get3A_156, %get3A_159 in 1 : vector<100x128xf32>, vector<100x128xf32> -> vector<100x256xf32>
    %get3A_160 = arith.constant 0 : index
    %get3A_161 = arith.constant 0 : index
    %get3A_162 = vector.load %arg14[%get3A_160, %get3A_161] : memref<256x128xf32, #tpu.memory_space<vmem>>, vector<256x128xf32>
    %dot_general3A_163 = arith.constant dense<0.000000e+00> : vector<100x128xf32>
    %dot_general3A_164 = tpu.matmul %concatenate3A, %get3A_162, %dot_general3A_163 {dimension_numbers = #tpu.dot_dimension_numbers<[1], [0], [0], [1], [0, 0, 1, 1], [], []>, transpose_lhs_hint = false} : vector<100x256xf32>, vector<256x128xf32>, vector<100x128xf32> -> vector<100x128xf32>
    %get3A_165 = arith.constant 0 : index
    %get3A_166 = vector.load %arg15[%get3A_165] : memref<128xf32, #tpu.memory_space<vmem>>, vector<128xf32>
    %broadcast_in_dim3A_167 = vector.shape_cast %get3A_166 : vector<128xf32> to vector<1x128xf32>
    %add3A_168 = vector.broadcast %broadcast_in_dim3A_167 : vector<1x128xf32> to vector<100x128xf32>
    %add3A_169 = arith.addf %dot_general3A_164, %add3A_168 : vector<100x128xf32>
    %max3A_170 = arith.constant 0.000000e+00 : f32
    %max3A_171 = vector.broadcast %max3A_170 : f32 to vector<100x128xf32>
    %max3A_172 = arith.maximumf %add3A_169, %max3A_171 : vector<100x128xf32>
    %get3A_173 = arith.constant 0 : index
    %get3A_174 = arith.constant 0 : index
    %get3A_175 = vector.load %arg16[%get3A_173, %get3A_174] : memref<128x64xf32, #tpu.memory_space<vmem>>, vector<128x64xf32>
    %dot_general3A_176 = arith.constant dense<0.000000e+00> : vector<100x64xf32>
    %dot_general3A_177 = tpu.matmul %max3A_172, %get3A_175, %dot_general3A_176 {dimension_numbers = #tpu.dot_dimension_numbers<[1], [0], [0], [1], [0, 0, 1, 1], [], []>, transpose_lhs_hint = false} : vector<100x128xf32>, vector<128x64xf32>, vector<100x64xf32> -> vector<100x64xf32>
    %get3A_178 = arith.constant 0 : index
    %get3A_179 = vector.load %arg17[%get3A_178] : memref<64xf32, #tpu.memory_space<vmem>>, vector<64xf32>
    %broadcast_in_dim3A_180 = vector.shape_cast %get3A_179 : vector<64xf32> to vector<1x64xf32>
    %add3A_181 = vector.broadcast %broadcast_in_dim3A_180 : vector<1x64xf32> to vector<100x64xf32>
    %add3A_182 = arith.addf %dot_general3A_177, %add3A_181 : vector<100x64xf32>
    %max3A_183 = arith.constant 0.000000e+00 : f32
    %max3A_184 = vector.broadcast %max3A_183 : f32 to vector<100x64xf32>
    %max3A_185 = arith.maximumf %add3A_182, %max3A_184 : vector<100x64xf32>
    %get3A_186 = arith.constant 0 : index
    %get3A_187 = arith.constant 0 : index
    %get3A_188 = vector.load %arg18[%get3A_186, %get3A_187] : memref<64x10xf32, #tpu.memory_space<vmem>>, vector<64x10xf32>
    %dot_general3A_189 = arith.constant dense<0.000000e+00> : vector<100x10xf32>
    %dot_general3A_190 = tpu.matmul %max3A_185, %get3A_188, %dot_general3A_189 {dimension_numbers = #tpu.dot_dimension_numbers<[1], [0], [0], [1], [0, 0, 1, 1], [], []>, transpose_lhs_hint = false} : vector<100x64xf32>, vector<64x10xf32>, vector<100x10xf32> -> vector<100x10xf32>
    %get3A_191 = arith.constant 0 : index
    %get3A_192 = vector.load %arg19[%get3A_191] : memref<10xf32, #tpu.memory_space<vmem>>, vector<10xf32>
    %broadcast_in_dim3A_193 = vector.shape_cast %get3A_192 : vector<10xf32> to vector<1x10xf32>
    %add3A_194 = vector.broadcast %broadcast_in_dim3A_193 : vector<1x10xf32> to vector<100x10xf32>
    %add3A_195 = arith.addf %dot_general3A_190, %add3A_194 : vector<100x10xf32>
    %reduce_max3A = arith.constant dense<0xFF800000> : vector<100xf32>
    %reduce_max3A_196 = vector.multi_reduction <maximumf>, %add3A_195, %reduce_max3A [1] : vector<100x10xf32> to vector<100xf32>
    %broadcast_in_dim3A_197 = vector.shape_cast %reduce_max3A_196 : vector<100xf32> to vector<100x1xf32>
    %sub3A = vector.broadcast %broadcast_in_dim3A_197 : vector<100x1xf32> to vector<100x10xf32>
    %sub3A_198 = arith.subf %add3A_195, %sub3A : vector<100x10xf32>
    %exp3A = math.exp %sub3A_198 : vector<100x10xf32>
    %reduce_sum3A_199 = arith.constant dense<0.000000e+00> : vector<100xf32>
    %reduce_sum3A_200 = vector.multi_reduction <add>, %exp3A, %reduce_sum3A_199 [1] : vector<100x10xf32> to vector<100xf32>
    %broadcast_in_dim3A_201 = vector.shape_cast %reduce_sum3A_200 : vector<100xf32> to vector<100x1xf32>
    %log3A = math.log %broadcast_in_dim3A_201 : vector<100x1xf32>
    %sub3A_202 = vector.broadcast %log3A : vector<100x1xf32> to vector<100x10xf32>
    %sub3A_203 = arith.subf %sub3A_198, %sub3A_202 : vector<100x10xf32>
    %swap3A_204 = arith.constant 0 : index
    %swap3A_205 = arith.constant 0 : index
    %swap3A_206 = vector.load %arg20[%swap3A_204, %swap3A_205] : memref<100x10xf32, #tpu.memory_space<vmem>>, vector<100x10xf32>
    tpu.vector_store %arg20[%swap3A_204, %swap3A_205], %sub3A_203 {strides = array<i32>} : memref<100x10xf32, #tpu.memory_space<vmem>>, vector<100x10xf32>,
    return
  }
}

</mosaic_0001>

<sc_bundles>
// kernel: kernel.4.cloned.1.call-start
scs
__scs_entry_jumppad:
0x0: {  	(pc) =	sbr.rel $0x88, $3  }
0x1: {  	(tag) =	ssettag $0x0;
	lr =	simm.s32 $0x1  }
0x2: {  	[smem:$0x3F8D] =	sst lr;
	_ =	strace $0xD0000000  }
0x3: {  	_ = 	snop  }
0x4: {  	_ = 	snop  }
0x5: {  	_ = 	snop  }
0x6: {  	_ = 	snop  }
0x7: {  	_ = 	snop  }
__scs_overlays_trampoline_lowered:
0x8: {  	[smem:$0x3F9C] =	sst s0  }
0x9: {  	[smem:$0x3F9D] =	sst s1  }
0xa: {  	[smem:$0x3F9E] =	sst s2  }
0xb: {  	[smem:$0x3F9F] =	sst s3  }
0xc: {  	[smem:$0x3FA0] =	sst s4  }
0xd: {  	[smem:$0x3FA1] =	sst s5  }
0xe: {  	[smem:$0x3FA2] =	sst s6  }
0xf: {  	[smem:$0x3FA3] =	sst s7  }
0x10: {  	[smem:$0x3FA4] =	sst s8  }
0x11: {  	[smem:$0x3FA5] =	sst s9;
	s0 =	simm.s32 @!p0 $0x0  }
0x12: {  	s1 =	sld [smem:$0x3F8B];
	s0 =	simm.s32 @p0 $0x1  }
0x13: {  	[smem:$0x3FA6] =	sst s0;
	s0 =	simm.s32 @!p1 $0x0  }
0x14: {  	s2 =	sld [smem:$0x3F8A];
	s0 =	simm.s32 @p1 $0x1  }
0x15: {  	[smem:$0x3FA7] =	sst s0;
	s0 =	simm.s32 @!p2 $0x0  }
0x16: {  	s3 =	sld [smem:$0x3FDB];
	s0 =	simm.s32 @p2 $0x1  }
0x17: {  	s4 =	simm.s32 $0x1BF5;
	[smem:$0x3FA9] =	sst s0  }
0x18: {  	s0 =	sld [smem:$0x3F8C];
	_ =	swait.ge [sflag:s4], $0x0  }
0x19: {  	s7 =	sld [smem:$0x3F8D]  }
0x1a: {  	s8 =	sadd.s32 $0xFFFFE003, lr  }
0x1b: {  	s9 =	sadd.s32 $0xFFFFFEF7, lr;
	s5 =	simm.s32 $0xFFFFFFFF;
	p2 =	slt.u32 s8, $0xFFFFF086  }
0x1c: {  	p1 =	slt.u32 s9, $0xF7A;
	s5 =	simm.s32 @!p2 $0x0  }
0x1d: {  	s5 =	simm.s32 @p1 $0x1;
	p0 =	seq.s32 s7, s2  }
0x1e: {  	s7 =	smul.u32 @!p0 $0xF7A, s2;
	p2 =	seq.s32 @!p0 s5, $0x0  }
0x1f: {  	s9 =	smul.u32 $0xF7A, s1;
	s8 =	simm.s32 @!p0 $0x1BF5;
	p2 =	por !p2, p0  }
0x20: {  	[sflag:s8] =	ssyncset.s32 @!p0 $0xFFFFF086;
	s6 =	sadd.s32 @!p0 s3, s7;
	s7 =	simm.s32 @!p0 $0x108  }
0x21: {  	s3 =	sadd.s32 s3, s9;
	s6 =	sadd.s32 @!p0 $0x88, s6;
	s7 =	simm.s32 @p2 $0x1082  }
0x22: {  	[simem:s7], [sflag:s8] =	dma.local @!p0 [hbm:s6], $0xF7A  }
0x23: {  	s9 =	sor.u32 $0xD0000000, s2;
	s6 =	simm.s32 $0x108;
	_ =	swait.ge @!p0 [sflag:s8], $0x0  }
0x24: {  	s3 =	sadd.s32 $0x88, s3;
	s6 =	simm.s32 @!p1 $0x1082;
	[sflag:s4] =	ssyncset.s32 $0xFFFFF086  }
0x25: {  	[simem:s6], [sflag:s4] =	dma.local [hbm:s3], $0xF7A  }
0x26: {  	[smem:$0x3F8D] =	sst s1;
	(tag) =	ssettag s2;
	_ =	strace s9  }
0x27: {  	s1 =	sld [smem:$0x3F9D]  }
0x28: {  	s2 =	sld [smem:$0x3F9E]  }
0x29: {  	s4 =	sld [smem:$0x3FA0]  }
0x2a: {  	p0 =	seq.s32 s5, $0x0;
	s5 =	sld [smem:$0x3FA1]  }
0x2b: {  	s6 =	sld [smem:$0x3FA2]  }
0x2c: {  	s7 =	sld [smem:$0x3FA3]  }
0x2d: {  	s3 =	simm.s32 $0x108;
	s8 =	sld [smem:$0x3FA4]  }
0x2e: {  	s3 =	simm.s32 @!p0 $0x1082;
	s9 =	sld [smem:$0x3FA5]  }
0x2f: {  	lr =	sadd.s32 s0, s3;
	s0 =	sld [smem:$0x3F9C]  }
0x30: {  	s3 =	sld [smem:$0x3F9F]  }
0x31: {  	[smem:$0x3FA8] =	sst s10  }
0x32: {  	s10 =	sld [smem:$0x3FA6];
	_ =	sdelay $0x3  }
0x33: {  	p0 =	seq.s32 s10, $0x1;
	s10 =	sld [smem:$0x3FA8];
	_ =	sdelay $0x3  }
0x34: {  	[smem:$0x3FA8] =	sst s10  }
0x35: {  	s10 =	sld [smem:$0x3FA7];
	_ =	sdelay $0x3  }
0x36: {  	p1 =	seq.s32 s10, $0x1;
	s10 =	sld [smem:$0x3FA8];
	_ =	sdelay $0x3  }
0x37: {  	[smem:$0x3FA8] =	sst s10  }
0x38: {  	s10 =	sld [smem:$0x3FA9]  }
0x39: {  	_ = 	snop;
	(pc) =	sbr.ind lr, $3  }
0x3a: {  	_ = 	snop  }
0x3b: {  	_ = 	snop  }
0x3c: {  	p2 =	seq.s32 s10, $0x1;
	s10 =	sld [smem:$0x3FA8]  }
0x3d: {  	_ =	shalt  }
0x3e: {  	_ =	shalt  }
0x3f: {  	_ =	shalt  }
0x40: {  	_ =	shalt  }
0x41: {  	_ =	shalt  }
0x42: {  	_ =	shalt  }
0x43: {  	_ =	shalt  }
0x44: {  	_ =	shalt  }
0x45: {  	_ =	shalt  }
0x46: {  	_ =	shalt  }
0x47: {  	_ =	shalt  }
0x48: {  	_ =	shalt  }
0x49: {  	_ =	shalt  }
0x4a: {  	_ =	shalt  }
0x4b: {  	_ =	shalt  }
0x4c: {  	_ =	shalt  }
0x4d: {  	_ =	shalt  }
0x4e: {  	_ =	shalt  }
0x4f: {  	_ =	shalt  }
0x50: {  	_ =	shalt  }
0x51: {  	_ =	shalt  }
0x52: {  	_ =	shalt  }
0x53: {  	_ =	shalt  }
0x54: {  	_ =	shalt  }
0x55: {  	_ =	shalt  }
0x56: {  	_ =	shalt  }
0x57: {  	_ =	shalt  }
0x58: {  	_ =	shalt  }
0x59: {  	_ =	shalt  }
0x5a: {  	_ =	shalt  }
0x5b: {  	_ =	shalt  }
0x5c: {  	_ =	shalt  }
0x5d: {  	_ =	shalt  }
0x5e: {  	_ =	shalt  }
0x5f: {  	_ =	shalt  }
0x60: {  	_ =	shalt  }
0x61: {  	_ =	shalt  }
0x62: {  	_ =	shalt  }
0x63: {  	_ =	shalt  }
0x64: {  	_ =	shalt  }
0x65: {  	_ =	shalt  }
0x66: {  	_ =	shalt  }
0x67: {  	_ =	shalt  }
0x68: {  	_ =	shalt  }
0x69: {  	_ =	shalt  }
0x6a: {  	_ =	shalt  }
0x6b: {  	_ =	shalt  }
0x6c: {  	_ =	shalt  }
0x6d: {  	_ =	shalt  }
0x6e: {  	_ =	shalt  }
0x6f: {  	_ =	shalt  }
0x70: {  	_ =	shalt  }
0x71: {  	_ =	shalt  }
0x72: {  	_ =	shalt  }
0x73: {  	_ =	shalt  }
0x74: {  	_ =	shalt  }
0x75: {  	_ =	shalt  }
0x76: {  	_ =	shalt  }
0x77: {  	_ =	shalt  }
0x78: {  	_ =	shalt  }
0x79: {  	_ =	shalt  }
0x7a: {  	_ =	shalt  }
0x7b: {  	_ =	shalt  }
0x7c: {  	_ =	shalt  }
0x7d: {  	_ =	shalt  }
0x7e: {  	_ =	shalt  }
0x7f: {  	_ =	shalt  }
0x80: {  	_ =	shalt  }
0x81: {  	_ =	shalt  }
0x82: {  	_ =	shalt  }
0x83: {  	_ =	shalt  }
0x84: {  	_ =	shalt  }
0x85: {  	_ =	shalt  }
0x86: {  	_ =	shalt  }
0x87: {  	_ =	shalt  }
.Lfunc_end0:
.L_simem_size_0:
called_computation_lowered:
.L_overlay_start_0:
0x88: {  	s2 =	sld [smem:$0x3FD9]  }
0x89: {  	s3 =	sld [smem:$0x3FFE];
	_ =	sdelay $0x1  }
0x8a: {  	s1 =	srdreg.scid  }
0x8b: {  	s0 =	sand.u32 $0x1, s1  }
0x8c: {  	s16 =	sshll.u32 s0, $0xA;
	s2 =	sadd.s32 s3, s2  }
0x8d: {  	s2 =	sadd.s32 s2, s16  }
0x8e: {  	[smem:$0x3FB4] =	sst s2  }
0x8f: {  	_ = 	snop  }
0x90: {  	(tm) =	ssettm $0x1  }
0x91: {  	s17 =	sld [smem:$0x3FFB];
	_ =	sdelay $0x3  }
0x92: {  	_ =	strace s17  }
0x93: {  	s2 =	sld [smem:$0x3FFC];
	_ =	sdelay $0x3  }
0x94: {  	_ =	strace s2  }
0x95: {  	s2 =	sld [smem:$0x3FFD];
	_ =	sdelay $0x3  }
0x96: {  	_ =	strace s2  }
0x97: {  	_ =	strace $0x8FFFFFFF  }
0x98: {  	s18 =	sld [smem:$0x3FDB];
	_ =	sdelay $0x1  }
0x99: {  	s19 =	simm.s32 $_scs_section_size  }
0x9a: {  	s4 =	simm.s32 $_size__tile_overlayer_lowered;
	s5 =	simm.s32 $_tile_overlayer_lowered  }
0x9b: {  	s22 =	simm.s32 $0x1BFF;
	s21 =	sshll.u32 s5, $0x1;
	s2 =	sadd.s32 s19, s18  }
0x9c: {  	s6 =	simm.s32 $0x0;
	s20 =	sshll.u32 s4, $0x1;
	s4 =	sadd.s32 s21, s2  }
0x9d: {  	[timem:s6], [sflag:s22] =	dma.local [hbm:s4], s20  }
0x9e: {  	_ =	swait.ge [sflag:s22], s20  }
0x9f: {  	s3 =	ssub.s32 $0x0, s20;
	[sflag:s22] =	ssyncset.done $0x0  }
0xa0: {  	[sflag:s22] =	ssyncadd.s32 s3;
	_ =	sdelay $0x1  }
0xa1: {  	s23 =	simm.s32 $0x1B8B  }
0xa2: {  	_ =	swait.ge [sflag:s23], $0x1  }
0xa3: {  	[sflag:s23] =	ssyncset.done $0x0  }
0xa4: {  	s25 =	simm.s32 $0x1B8E;
	s24 =	sld [smem:$0x3FFE];
	[sflag:s23] =	ssyncadd.s32 $0xFFFFFFFF  }
0xa5: {  	s26 =	simm.s32 $execute0_lowered;
	[smem:$0x3FD2] =	sst s25  }
0xa6: {  	s4 =	sshll.u32 s26, $0x1;
	_ =	strace $0x80000046;
	[dreg:$0x1] =	wrdreg $0xFFFFFFFF  }
0xa7: {  	s28 =	simm.s32 $_size_execute0_lowered;
	s2 =	sadd.s32 s2, s4;
	[dreg:$0x0] =	wrdreg $0x0  }
0xa8: {  	s4 =	sshll.u32 s28, $0x1;
	[dreg:$0x2] =	wrdreg s2  }
0xa9: {  	[dreg:$0x3] =	wrdreg s4  }
0xaa: {  	[dreg:$0x4] =	wrdreg $0xC0  }
0xab: {  	_ =	task [dreg:s6], $0x5FFFF  }
0xac: {  	[dreg:$0x1] =	wrdreg $0xFFFFFFFF  }
0xad: {  	[dreg:$0x0] =	wrdreg $0x60  }
0xae: {  	[dreg:$0x2] =	wrdreg s24  }
0xaf: {  	[dreg:$0x3] =	wrdreg $0x4F800  }
0xb0: {  	[dreg:$0x4] =	wrdreg $0x9  }
0xb1: {  	_ =	task.clear_ibuf [dreg:s6], $0x5FFFF;
	_ =	strace $0x90000046  }
0xb2: {  	s29 =	simm.s32 $0x9;
	_ =	strace $0x80000048  }
0xb3: {  	_ =	swait.ge [sflag:s29], $0x1  }
0xb4: {  	[sflag:s29] =	ssyncadd.s32 $0xFFFFFFFF  }
0xb5: {  	_ =	strace $0x90000048  }
0xb6: {  	_ =	sfence  }
0xb7: {  	s30 =	sld [smem:$0x0];
	_ =	sdelay $0x2  }
0xb8: {  	s31 =	sshll.u32 s1, $0xD;
	s1 =	sshrl.u32 s1, $0x2  }
0xb9: {  	s3 =	sand.u32 $0x4000, s31;
	s1 =	sadd.s32 s1, s30  }
0xba: {  	s0 =	sor.u32 s3, s0;
	s1 =	sshll.u32 s1, $0x11  }
0xbb: {  	s0 =	sor.u32 s1, s0  }
0xbc: {  	s0 =	sadd.s32 $0x8F2B, s0  }
0xbd: {  	[sflag:s0] =	ssyncadd.remote.s32 $0x1  }
0xbe: {  	_ =	sfence.sel $0xFFFF  }
0xbf: {  	[dreg:$0x0] =	wrdreg $0xFFFFFFFF;
	(pc) =	sbr.abs _section_cstart, $3  }
0xc0: {  	[dreg:$0x1] =	wrdreg $0xFFFFFFFF  }
0xc1: {  	_ =	task.clear_ibuf [dreg:s6], $0x2FFFF;
	_ =	strace $0x9FFFFFFF  }
0xc2: {  	(tm) =	ssettm $0x7FFFFFFF  }
0xc3: {  	_ =	shalt  }
tec
execute0_lowered:
.L_overlay_start_1:
0x0: {  	(tag) =	ssettag $0x1  }
0x1: {  	s0 =	srdreg.scid  }
0x2: {  	s5 =	rddreg [dreg:$0x0];
	s4 =	sand.u32 $0x1, s0;
	s0 =	stileid.u32  }
0x3: {  	s2 =	rddreg [dreg:$0x1];
	s3 =	simm.s32 $0x0;
	s7 =	smul.u32 $0xFE00, s0  }
0x4: {  	s13 =	simm.s32 $0x4F00;
	s15 =	simm.s32 $0x0;
	s8 =	smul.u32 $0xFDE80, s4  }
0x5: {  	[smem:$0x7FF] =	sst s3;
	s1 =	sshll.u32 s4, $0x4;
	s9 =	smul.u32 $0x13880, s0  }
0x6: {  	s4 =	ssub.s32 $0x2, s4;
	s31 =	sshll.u32 s0, $0x6;
	s1 =	sor.u32 s0, s1  }
0x7: {  	p0 =	sgt.u32 s0, $0xC;
	s11 =	sshrl.u32 s4, $0x1;
	s6 =	smul.u32 $0x4E2, s1  }
0x8: {  	s1 =	rddreg [dreg:$0x2];
	_ =	strace $0x80000047;
	s30 =	sshrl.u32 s7, $0x3  }
0x9: {  	s8 =	sadd.s32 s9, s8;
	s11 =	ssub.s32 s4, s11;
	s12 =	sadd.s32 s7, s2  }
0xa: {  	s14 =	sadd.s32 s9, s2;
	s8 =	sshrl.u32 s8, $0x3;
	s9 =	smax.u32 s11, $0x1  }
0xb: {  	s11 =	simm.s32 $0x1;
	s14 =	sshrl.u32 @!p0 s14, $0x3;
	s10 =	sadd.s32 s6, s5  }
0xc: {  	s6 =	sadd.s32 s30, s5;
	s8 =	sadd.s32 s8, s5;
	s5 =	sor.u32 $0x1C01, s31  }
0xd: {  	s4 =	sadd.s32 $0x16400, s6;
	s6 =	sadd.s32 $0xC600, s10;
	s7 =	sadd.s32 $0x2800, s10  }
0xe: {  	v0 =	vimm.f32 $1.000000000e+00;
	vm0 =	vmmov $0xffff;
	s8 =	sadd.s32 $0x36000, s8;
	s10 =	sshrl.u32 s12, $0x3;
	s12 =	simm.s32 $0x2780  }
.LBB2_1:
0xf: {  	[spmem:s10], [sflag:s5] =	dma.local [hbm:s4], $0x1FC0  }
0x10: {  	_ =	swait.ge [sflag:s11], $0x1FC0  }
0x11: {  	[sflag:s11] =	ssyncset.done $0x0  }
0x12: {  	[sflag:s11] =	ssyncadd.s32 $0xFFFFE040  }
0x13: {  	[tilespmem:s3], [sflag:$0x1] =	stream.linear.gather [hbm4b:s6+s3], $0x2710, $0x38;
	[tilespmem:$0x14D80] =	vst v63  }
0x14: {  	_ =	swait.ge [sflag:s11], $0x2710  }
0x15: {  	[sflag:s11] =	ssyncset.done $0x0  }
0x16: {  	[sflag:s11] =	ssyncadd.s32 $0xFFFFD8F0  }
0x17: {  	[tilespmem:s12], [sflag:$0x1] =	stream.linear.gather [hbm4b:s7+s3], $0x2710, $0x38;
	[tilespmem:$0x14D80] =	vst v63  }
0x18: {  	_ =	swait.ge [sflag:s11], $0x2710  }
0x19: {  	[sflag:s11] =	ssyncset.done $0x0  }
0x1a: {  	[sflag:s11] =	ssyncadd.s32 $0xFFFFD8F0  }
0x1b: {  	[tilespmem:$0x4F00] =	vst v0  }
0x1c: {  	s16 =	simm.s32 $0x0;
	[bflag:$0x0] =	sbarrier.arrive $0xFFFF  }
0x1d: {  	v1 =	vld [tilespmem:s16+$0x2780]  }
0x1e: {  	v2 =	vld [tilespmem:s16+$0x0];
	_ =	sdelay $0x3  }
0x1f: {  	v3 =	vmul.u32 $0x147B, v1  }
0x20: {  	v4 =	vmul.u32 $0x147B, v2  }
0x21: {  	v3 =	vshrl.u32 v3, $0x11  }
0x22: {  	v4 =	vshrl.u32 v4, $0x13;
	v3 =	vand.u32 $0x7FFC, v3  }
0x23: {  	v1 =	vadd.s32 v1, v3;
	v3 =	vmul.u32 $0xFFFFFF9C, v4  }
0x24: {  	v1 =	vmul.u32 $0x64, v1  }
0x25: {  	v2 =	vadd.s32 v2, v3  }
0x26: {  	v1 =	vadd.s32 v1, v2;
	_ =	sdelay $0x4  }
0x27: {  	[spmem:s2] =	stream.indirect_vreg.scatter.add.f32 [tilespmem:s13], [sflag:$0x1], $0x1, v1, vm0, $0xb8;
	[tilespmem:$0x14D80] =	vst v63  }
0x28: {  	_ =	swait.ge [sflag:s11], $0x10  }
0x29: {  	s17 =	simm.s32 $0x80;
	s16 =	simm.s32 $0x40;
	[sflag:s11] =	ssyncset.done $0x0  }
.LBB2_2:
0x2a: {  	s18 =	sshra.s32 s16, $0x2  }
0x2b: {  	[sflag:s11] =	ssyncadd.s32 $0xFFFFFFF0;
	s16 =	smov.u32 s17;
	s19 =	sadd.s32 $0x40, s17  }
0x2c: {  	p1 =	sne.s32 s17, $0x9C00;
	v1 =	vld [tilespmem:s18+$0x2780]  }
0x2d: {  	v2 =	vld [tilespmem:s18+$0x0];
	_ =	sdelay $0x3  }
0x2e: {  	v3 =	vmul.u32 $0x147B, v1  }
0x2f: {  	v4 =	vmul.u32 $0x147B, v2  }
0x30: {  	v3 =	vshrl.u32 v3, $0x11  }
0x31: {  	v4 =	vshrl.u32 v4, $0x13;
	v3 =	vand.u32 $0x7FFC, v3  }
0x32: {  	v1 =	vadd.s32 v1, v3;
	v3 =	vmul.u32 $0xFFFFFF9C, v4  }
0x33: {  	v1 =	vmul.u32 $0x64, v1  }
0x34: {  	v2 =	vadd.s32 v2, v3  }
0x35: {  	v1 =	vadd.s32 v1, v2;
	_ =	sdelay $0x2  }
.Ltmp0:
0x36: {  	(pc) =	sbr.rel @p1 .LBB2_2-.Ltmp0, $4  }
0x37: {  	_ = 	snop  }
0x38: {  	[spmem:s2] =	stream.indirect_vreg.scatter.add.f32 [tilespmem:s13], [sflag:$0x1], $0x1, v1, vm0, $0xb8;
	[tilespmem:$0x14D80] =	vst v63  }
0x39: {  	_ =	swait.ge [sflag:s11], $0x10  }
0x3a: {  	s17 =	smov.u32 s19;
	[sflag:s11] =	ssyncset.done $0x0  }
0x3b: {  	s16 =	sshra.s32 s16, $0x2;
	[sflag:s11] =	ssyncadd.s32 $0xFFFFFFF0  }
0x3c: {  	v1 =	vld [tilespmem:s16+$0x2780]  }
0x3d: {  	v2 =	vld [tilespmem:s16+$0x0];
	_ =	sdelay $0x3  }
0x3e: {  	v3 =	vmul.u32 $0x147B, v1  }
0x3f: {  	v4 =	vmul.u32 $0x147B, v2  }
0x40: {  	v3 =	vshrl.u32 v3, $0x11  }
0x41: {  	v4 =	vshrl.u32 v4, $0x13;
	v3 =	vand.u32 $0x7FFC, v3  }
0x42: {  	v1 =	vadd.s32 v1, v3;
	v3 =	vmul.u32 $0xFFFFFF9C, v4  }
0x43: {  	v1 =	vmul.u32 $0x64, v1  }
0x44: {  	v2 =	vadd.s32 v2, v3  }
0x45: {  	v1 =	vadd.s32 v1, v2;
	_ =	sdelay $0x4  }
0x46: {  	[spmem:s2] =	stream.indirect_vreg.scatter.add.f32 [tilespmem:s13], [sflag:$0x1], $0x1, v1, vm0, $0xb8;
	[tilespmem:$0x14D80] =	vst v63  }
0x47: {  	_ =	swait.ge [sflag:s11], $0x10  }
0x48: {  	s15 =	sadd.s32 $0x1, s15;
	[sflag:s11] =	ssyncset.done $0x0  }
0x49: {  	p1 =	sne.s32 s15, s9;
	[sflag:s11] =	ssyncadd.s32 $0xFFFFFFF0  }
.Ltmp1:
0x4a: {  	s16 =	simm.s32 @!p0 $0x1;
	[bflag:$0x0] =	sbarrier.arrive $0xFFFF;
	(pc) =	sbr.rel @p1 .LBB2_1-.Ltmp1, $4  }
0x4b: {  	[hbm:s8], [sflag:s5] =	dma.local @!p0 [spmem:s14], $0x2710  }
0x4c: {  	_ =	swait.ge @!p0 [sflag:s16], $0x2710  }
0x4d: {  	[sflag:s16] =	ssyncset.done @!p0 $0x0  }
0x4e: {  	[sflag:s16] =	ssyncadd.s32 @!p0 $0xFFFFD8F0  }
0x4f: {  	_ =	sfence.sel $0x180000  }
0x50: {  	[bflag:$0x0] =	sbarrier.arrive $0xFFFF  }
0x51: {  	p0 =	sne.s32 s0, $0x0;
	_ =	strace $0x90000047  }
0x52: {  	s0 =	sadd.s32 @!p0 $0x100000, s1;
	[bflag:$0x2] =	sbarrier.arrive $0xFFFF  }
0x53: {  	[sflag:s0] =	ssyncadd.tile.s32 @!p0 $0x1;
	_ =	shalt  }
.Lfunc_end2:
_tile_overlayer_lowered:
.L_overlay_start_2:
0x54: {  	(tag) =	ssettag $0x2  }
0x55: {  	s0 =	rddreg [dreg:$0x0];
	s2 =	stileid.u32  }
0x56: {  	s1 =	rddreg [dreg:$0x1];
	p0 =	sne.s32 s2, $0x0  }
0x57: {  	s3 =	rddreg [dreg:$0x2];
	[bflag:$0x3] =	sbarrier.arrive $0xFFFF;
	s2 =	simm.s32 @!p0 $0x1C01  }
0x58: {  	[timem:s3], [sflag:s2] =	dma.local @!p0 [hbm:s0], s1  }
0x59: {  	s0 =	simm.s32 @!p0 $0x1  }
0x5a: {  	_ =	swait.ge @!p0 [sflag:s0], s1  }
0x5b: {  	s1 =	ssub.s32 @!p0 $0x0, s1;
	[sflag:s0] =	ssyncset.done @!p0 $0x0  }
0x5c: {  	[sflag:s0] =	ssyncadd.s32 @!p0 s1  }
0x5d: {  	[bflag:$0x3] =	sbarrier.arrive $0xFFFF  }
0x5e: {  	_ =	shalt  }

</sc_bundles>
